<compile_context>
chip_gen: v7x
topology: tpu7x:2x2x1
jax: 0.10.2.dev20260603
libtpu: 0.0.44.dev20260713+nightly
codegen_flags: <defaults>
</compile_context>

<pallas_src>
import functools
import jax
import jax.numpy as jnp
from jax import lax
from jax.experimental import pallas as pl
from jax.experimental.pallas import tpu as pltpu
from jax.experimental.pallas import tpu_sc as plsc

_N = 256
_K = 16
_C = 256
_NC = 2
_NS = 16
_L = 16


def _sc_knn(c_hbm, nbr_hbm, cv, rows_v, sem):
    f32 = jnp.float32
    wid = lax.axis_index("s") * _NC + lax.axis_index("c")
    scene = wid // 4
    base = (wid % 4) * 64
    pltpu.sync_copy(c_hbm.at[scene], cv)
    iota = lax.broadcasted_iota(jnp.int32, (_L,), 0)
    _dn = lax.GatherDimensionNumbers(offset_dims=(), collapsed_slice_dims=(0,),
                                     start_index_map=(0,))

    def bcast(vec, lane):
        return lax.gather(vec, lane[:, None], _dn, (1,),
                          mode=lax.GatherScatterMode.PROMISE_IN_BOUNDS)

    def row_body(r, carry):
        i = base + r
        lane = jnp.full((_L,), i % _L, jnp.int32)
        chunk = (i // _L) * _L
        cxi = bcast(cv[0, pl.ds(chunk, _L)], lane)
        cyi = bcast(cv[1, pl.ds(chunk, _L)], lane)
        czi = bcast(cv[2, pl.ds(chunk, _L)], lane)
        bk = jnp.full((_L,), f32(3e38))
        bv = jnp.zeros((_L,), jnp.int32)
        for j in range(_N // _L):
            s0 = j * _L
            dx = cv[0, s0:s0 + _L] - cxi
            dy = cv[1, s0:s0 + _L] - cyi
            dz = cv[2, s0:s0 + _L] - czi
            dist = (dx * dx + dy * dy) + dz * dz
            idxv = iota + jnp.int32(s0)
            dist = jnp.where(idxv == i, dist + f32(1e10), dist)
            ck, cvv = lax.sort((dist, idxv), num_keys=1)
            rbk = lax.rev(bk, (0,))
            rbv = lax.rev(bv, (0,))
            lt = ck < rbk
            eq = ck == rbk
            tk = jnp.where(lt, ck, rbk)
            tv = jnp.where(lt, cvv, jnp.where(eq, jnp.minimum(cvv, rbv), rbv))
            bk, bv = lax.sort((tk, tv), num_keys=1)
        rows_v[pl.ds(r * _K, _K)] = bv
        return carry

    lax.fori_loop(0, 64, row_body, 0)
    pltpu.sync_copy(rows_v, nbr_hbm.at[pl.ds(wid * 64 * _K, 64 * _K)])


def _knn_indices(center):
    B = center.shape[0]
    c3 = jnp.transpose(center, (0, 2, 1))
    mesh = plsc.VectorSubcoreMesh(core_axis_name="c", subcore_axis_name="s")
    k = functools.partial(
        pl.kernel, mesh=mesh,
        out_type=jax.ShapeDtypeStruct((B * _N * _K,), jnp.int32),
        scratch_types=[pltpu.VMEM((3, _N), jnp.float32),
                       pltpu.VMEM((64 * _K,), jnp.int32),
                       pltpu.SemaphoreType.DMA],
        compiler_params=pltpu.CompilerParams(needs_layout_passes=False),
    )(_sc_knn)
    return k(c3).reshape(B, _N, _K)


def _tc_kernel(x_ref, mask_ref, nbr_ref,
               Wd1_ref, Wb1_ref, b11_ref, W12_ref, b12_ref,
               Wd2_ref, Wb2_ref, b21_ref, W22_ref, b22_ref,
               out_ref):
    f32 = jnp.float32
    bf16 = jnp.bfloat16
    col_iota = jax.lax.broadcasted_iota(jnp.int32, (_N, _N), 1)
    nbr = nbr_ref[0]

    def edgeconv(xin, Wd_ref, Wb_ref, b1_ref, W2_ref, b2_ref):
        P = jnp.dot(xin, Wd_ref[...], preferred_element_type=f32) + b1_ref[...]
        Q = jnp.dot(xin, Wb_ref[...], preferred_element_type=f32).astype(bf16)
        W2 = W2_ref[...]
        acc = jnp.full((_N, _C), -jnp.inf, f32)
        for t in range(_K):
            onehot = jnp.where(col_iota == nbr[:, t:t + 1],
                               f32(1.0), f32(0.0)).astype(bf16)
            G = jnp.dot(onehot, Q, preferred_element_type=f32)
            H = jnp.maximum(P + G, f32(0.0))
            O = jnp.dot(H, W2, preferred_element_type=f32)
            acc = jnp.maximum(acc, O)
        return acc + b2_ref[...]

    x = x_ref[0]
    h = edgeconv(x, Wd1_ref, Wb1_ref, b11_ref, W12_ref, b12_ref)
    h = jnp.maximum(h, f32(0.0))
    h = edgeconv(h, Wd2_ref, Wb2_ref, b21_ref, W22_ref, b22_ref)
    mask = mask_ref[0]
    out_ref[0] = jnp.where(mask > f32(0.0), h, x)


def kernel(object_feat, bbox_mask, center, W11, b11, W12, b12, W21, b21, W22, b22):
    B = object_feat.shape[0]
    nbr = _knn_indices(center)
    mask3 = bbox_mask.reshape(B, _N, 1)
    Wd1 = W11[:_C] - W11[_C:]
    Wd2 = W21[:_C] - W21[_C:]

    def w_spec(shape):
        return pl.BlockSpec(shape, lambda g: (0,) * len(shape))

    def b_spec(shape):
        return pl.BlockSpec(shape, lambda g: (g, 0, 0))

    out = pl.pallas_call(
        _tc_kernel,
        grid=(B,),
        in_specs=[
            b_spec((1, _N, _C)),
            b_spec((1, _N, 1)),
            b_spec((1, _N, _K)),
            w_spec((_C, _C)), w_spec((_C, _C)), w_spec((1, _C)),
            w_spec((_C, _C)), w_spec((1, _C)),
            w_spec((_C, _C)), w_spec((_C, _C)), w_spec((1, _C)),
            w_spec((_C, _C)), w_spec((1, _C)),
        ],
        out_specs=b_spec((1, _N, _C)),
        out_shape=jax.ShapeDtypeStruct((B, _N, _C), jnp.float32),
    )(object_feat, mask3, nbr,
      Wd1, W11[_C:], b11.reshape(1, _C), W12, b12.reshape(1, _C),
      Wd2, W21[_C:], b21.reshape(1, _C), W22, b22.reshape(1, _C))
    return out

# --- scband reference (transcript-rebuilt; emitter-appended) ---
"""Pipeline reference for scband-graph-module-49117245997771 (READ-ONLY COPY).

The authoritative reference and input builder live on the scoring server;
editing this copy changes nothing except your own understanding.
"""

import jax, jax.numpy as jnp
import numpy as np

K = 16
C = 256

def _knn_idx(centers, k):
    # centers: [N, 3]; torch_geometric knn_graph(loop=False): k nearest neighbors per node, excluding self
    d = jnp.sum((centers[:, None, :] - centers[None, :, :]) ** 2, axis=-1)
    d = d + jnp.eye(centers.shape[0], dtype=d.dtype) * 1e10  # exclude self-loops
    _, idx = jax.lax.top_k(-d, k)
    return idx  # [N, k] source (neighbor) indices for each target node

def _edgeconv(x, nbr, W1, b1, W2, b2):
    # EdgeConv with aggr='max': message = mlp(cat([x_i, x_j - x_i]))
    N, k = nbr.shape
    x_i = jnp.broadcast_to(x[:, None, :], (N, k, x.shape[1]))
    x_j = x[nbr]  # gather [N, k, C]
    m = jnp.concatenate([x_i, x_j - x_i], axis=-1)  # [N, k, 2C]
    h = jnp.maximum(m @ W1 + b1, 0.0)
    h = h @ W2 + b2
    return jnp.max(h, axis=1)  # scatter-max aggregation (each target has exactly k in-edges)

def setup_inputs(seed: int = 0) -> dict:
    key = jax.random.key(seed)
    ks = jax.random.split(key, 12)
    B, N = 8, 256
    inp = {
        'object_feat': jax.random.normal(ks[0], (B, N, C), dtype=jnp.float32),
        'bbox_mask': jnp.ones((B, N), dtype=jnp.float32),
        'center': jax.random.normal(ks[1], (B, N, 3), dtype=jnp.float32),
        # EdgeConv 1 mlp: Linear(2C, C) -> ReLU -> Linear(C, C)
        'W11': jax.random.normal(ks[2], (2 * C, C), dtype=jnp.float32) * 0.05,
        'b11': jnp.zeros((C,), dtype=jnp.float32),
        'W12': jax.random.normal(ks[3], (C, C), dtype=jnp.float32) * 0.05,
        'b12': jnp.zeros((C,), dtype=jnp.float32),
        # EdgeConv 2 mlp
        'W21': jax.random.normal(ks[4], (2 * C, C), dtype=jnp.float32) * 0.05,
        'b21': jnp.zeros((C,), dtype=jnp.float32),
        'W22': jax.random.normal(ks[5], (C, C), dtype=jnp.float32) * 0.05,
        'b22': jnp.zeros((C,), dtype=jnp.float32),
    }
    return inp

def reference(object_feat, bbox_mask, center, W11, b11, W12, b12, W21, b21, W22, b22):
    # Per-batch: select active objects (mask is all-ones -> all N objects), build knn graph once,
    # run EdgeConv -> ReLU -> Dropout(eval=identity) -> EdgeConv, write back where mask>0.
    def scene(x, m, c):
        nbr = _knn_idx(c, K)
        h = _edgeconv(x, nbr, W11, b11, W12, b12)
        h = jnp.maximum(h, 0.0)  # nn.ReLU
        # nn.Dropout(0.5) in eval mode -> identity
        h = _edgeconv(h, nbr, W21, b21, W22, b22)
        return jnp.where(m[:, None] > 0, h, x)
    return jax.vmap(scene)(object_feat, bbox_mask, center)

if __name__ == "__main__":
    import jax
    _d = setup_inputs()
    print(jax.jit(kernel)(*tuple(_d.values())))

</pallas_src>

<mosaic_0001>
#map = affine_map<(d0, d1) -> (0, 0, 0)>
#map1 = affine_map<(d0, d1) -> (0)>
module attributes {stable_mosaic.version = 14 : i64} {
  func.func @_sc_knn(%arg0: i32, %arg1: i32, %arg2: memref<8x3x256xf32, #tpu.memory_space<hbm>>, %arg3: memref<32768xi32, #tpu.memory_space<hbm>>, %arg4: memref<3x256xf32, #tpu.memory_space<vmem>>, %arg5: memref<1024xi32, #tpu.memory_space<vmem>>, %arg6: memref<!tpu.dma_semaphore, #tpu.memory_space<semaphore_mem>>) attributes {dimension_semantics = [#tpu.dimension_semantics<core_parallel>, #tpu.dimension_semantics<subcore_parallel>], iteration_bounds = array<i64: 2, 16>, scalar_prefetch = 0 : i64, scratch_operands = 3 : i64, tpu.core_type = #tpu.core_type<sc_vector_subcore>, window_params = [{transform_indices = #map}, {transform_indices = #map1}]} {
    %mul3A = arith.constant 2 : i32
    %mul3A_0 = arith.muli %arg1, %mul3A : i32
    %add3A = arith.addi %mul3A_0, %arg0 : i32
    %jit3A = arith.constant 4 : i32
    %div3A = arith.divsi %add3A, %jit3A : i32
    %sign3A = arith.constant 0 : i32
    %sign3A_1 = arith.cmpi sgt, %add3A, %sign3A : i32
    %sign3A_2 = arith.extui %sign3A_1 : i1 to i32
    %sign3A_3 = arith.constant 0 : i32
    %sign3A_4 = arith.cmpi slt, %add3A, %sign3A_3 : i32
    %sign3A_5 = arith.extui %sign3A_4 : i1 to i32
    %sign3A_6 = arith.subi %sign3A_2, %sign3A_5 : i32
    %sign3A_7 = arith.constant 0 : i32
    %sign3A_8 = arith.cmpi sgt, %jit3A, %sign3A_7 : i32
    %sign3A_9 = arith.extui %sign3A_8 : i1 to i32
    %sign3A_10 = arith.constant 0 : i32
    %sign3A_11 = arith.cmpi slt, %jit3A, %sign3A_10 : i32
    %sign3A_12 = arith.extui %sign3A_11 : i1 to i32
    %sign3A_13 = arith.subi %sign3A_9, %sign3A_12 : i32
    %ne3A = arith.cmpi ne, %sign3A_6, %sign3A_13 : i32
    %rem3A = arith.remsi %add3A, %jit3A : i32
    %ne3A_14 = arith.constant 0 : i32
    %ne3A_15 = arith.cmpi ne, %rem3A, %ne3A_14 : i32
    %and3A = arith.andi %ne3A, %ne3A_15 : i1
    %sub3A = arith.constant 1 : i32
    %sub3A_16 = arith.subi %div3A, %sub3A : i32
    %select_n3A = arith.select %and3A, %sub3A_16, %div3A : i32
    %jit3A_17 = arith.constant 4 : i32
    %eq3A = arith.constant 0 : i32
    %eq3A_18 = arith.cmpi eq, %jit3A_17, %eq3A : i32
    %jit3A_19 = arith.constant 1 : i32
    %select_n3A_20 = arith.select %eq3A_18, %jit3A_19, %jit3A_17 : i32
    %rem3A_21 = arith.remsi %add3A, %select_n3A_20 : i32
    %ne3A_22 = arith.constant 0 : i32
    %ne3A_23 = arith.cmpi ne, %rem3A_21, %ne3A_22 : i32
    %lt3A = arith.constant 0 : i32
    %lt3A_24 = arith.cmpi slt, %rem3A_21, %lt3A : i32
    %lt3A_25 = arith.constant 0 : i32
    %lt3A_26 = arith.cmpi slt, %select_n3A_20, %lt3A_25 : i32
    %ne3A_27 = arith.xori %lt3A_24, %lt3A_26 : i1
    %and3A_28 = arith.andi %ne3A_27, %ne3A_23 : i1
    %add3A_29 = arith.addi %rem3A_21, %select_n3A_20 : i32
    %select_n3A_30 = arith.select %and3A_28, %add3A_29, %rem3A_21 : i32
    %mul3A_31 = arith.constant 64 : i32
    %mul3A_32 = arith.muli %select_n3A_30, %mul3A_31 : i32
    "tpu.region"() ({
      %run_scoped3A = tpu.sem_alloc : memref<!tpu.dma_semaphore, #tpu.memory_space<semaphore_mem>>
      %dma_start3A = arith.constant 0 : i32
      %dma_start3A_42 = arith.constant 0 : i32
      %dma_start3A_43 = tpu.memref_slice %arg2[%select_n3A, %dma_start3A, %dma_start3A_42] : memref<8x3x256xf32, #tpu.memory_space<hbm>> -> memref<1x3x256xf32, #tpu.memory_space<hbm>>
      %dma_start3A_44 = tpu.memref_squeeze %dma_start3A_43 : memref<1x3x256xf32, #tpu.memory_space<hbm>> -> memref<3x256xf32, #tpu.memory_space<hbm>>
      %dma_start3A_45 = arith.constant 0 : i32
      %dma_start3A_46 = arith.constant 0 : i32
      %dma_start3A_47 = tpu.memref_slice %arg2[%select_n3A, %dma_start3A_45, %dma_start3A_46] : memref<8x3x256xf32, #tpu.memory_space<hbm>> -> memref<1x3x256xf32, #tpu.memory_space<hbm>>
      %dma_start3A_48 = tpu.memref_squeeze %dma_start3A_47 : memref<1x3x256xf32, #tpu.memory_space<hbm>> -> memref<3x256xf32, #tpu.memory_space<hbm>>
      tpu.enqueue_dma source(%dma_start3A_48 : memref<3x256xf32, #tpu.memory_space<hbm>>) target(%arg4 : memref<3x256xf32, #tpu.memory_space<vmem>>) target_semaphore(%run_scoped3A : memref<!tpu.dma_semaphore, #tpu.memory_space<semaphore_mem>>)
      %dma_wait3A = arith.constant 0 : i32
      %dma_wait3A_49 = arith.constant 0 : i32
      %dma_wait3A_50 = tpu.memref_slice %arg2[%select_n3A, %dma_wait3A, %dma_wait3A_49] : memref<8x3x256xf32, #tpu.memory_space<hbm>> -> memref<1x3x256xf32, #tpu.memory_space<hbm>>
      %dma_wait3A_51 = tpu.memref_squeeze %dma_wait3A_50 : memref<1x3x256xf32, #tpu.memory_space<hbm>> -> memref<3x256xf32, #tpu.memory_space<hbm>>
      %dma_wait3A_52 = arith.constant 0 : i32
      %dma_wait3A_53 = arith.constant 0 : i32
      %dma_wait3A_54 = tpu.memref_slice %arg2[%select_n3A, %dma_wait3A_52, %dma_wait3A_53] : memref<8x3x256xf32, #tpu.memory_space<hbm>> -> memref<1x3x256xf32, #tpu.memory_space<hbm>>
      %dma_wait3A_55 = tpu.memref_squeeze %dma_wait3A_54 : memref<1x3x256xf32, #tpu.memory_space<hbm>> -> memref<3x256xf32, #tpu.memory_space<hbm>>
      tpu.wait_dma2 semaphore(%run_scoped3A : memref<!tpu.dma_semaphore, #tpu.memory_space<semaphore_mem>>) src(%dma_wait3A_55 : memref<3x256xf32, #tpu.memory_space<hbm>>) dst(%arg4 : memref<3x256xf32, #tpu.memory_space<vmem>>)
      tpu.yield
    }) : () -> ()
    %iota3A = tpu.iota {dimensions = array<i32: 0>} : vector<16xi32>
    %scan3A = arith.constant 0 : i32
    %scan3A_33 = arith.constant 0 : i32
    %scan3A_34 = arith.constant 64 : i32
    %scan3A_35 = arith.addi %scan3A_33, %scan3A_34 : i32
    %scan3A_36 = arith.constant 1 : i32
    scf.for %scan3A_42 = %scan3A_33 to %scan3A_35 step %scan3A_36  : i32 {
      %add3A_43 = arith.addi %mul3A_32, %scan3A_42 : i32
      %jit3A_44 = arith.constant 16 : i32
      %eq3A_45 = arith.constant 0 : i32
      %eq3A_46 = arith.cmpi eq, %jit3A_44, %eq3A_45 : i32
      %jit3A_47 = arith.constant 1 : i32
      %select_n3A_48 = arith.select %eq3A_46, %jit3A_47, %jit3A_44 : i32
      %rem3A_49 = arith.remsi %add3A_43, %select_n3A_48 : i32
      %ne3A_50 = arith.constant 0 : i32
      %ne3A_51 = arith.cmpi ne, %rem3A_49, %ne3A_50 : i32
      %lt3A_52 = arith.constant 0 : i32
      %lt3A_53 = arith.cmpi slt, %rem3A_49, %lt3A_52 : i32
      %lt3A_54 = arith.constant 0 : i32
      %lt3A_55 = arith.cmpi slt, %select_n3A_48, %lt3A_54 : i32
      %ne3A_56 = arith.xori %lt3A_53, %lt3A_55 : i1
      %and3A_57 = arith.andi %ne3A_56, %ne3A_51 : i1
      %add3A_58 = arith.addi %rem3A_49, %select_n3A_48 : i32
      %select_n3A_59 = arith.select %and3A_57, %add3A_58, %rem3A_49 : i32
      %broadcast_in_dim3A = vector.broadcast %select_n3A_59 : i32 to vector<16xi32>
      %jit3A_60 = arith.constant 16 : i32
      %div3A_61 = arith.divsi %add3A_43, %jit3A_60 : i32
      %sign3A_62 = arith.constant 0 : i32
      %sign3A_63 = arith.cmpi sgt, %add3A_43, %sign3A_62 : i32
      %sign3A_64 = arith.extui %sign3A_63 : i1 to i32
      %sign3A_65 = arith.constant 0 : i32
      %sign3A_66 = arith.cmpi slt, %add3A_43, %sign3A_65 : i32
      %sign3A_67 = arith.extui %sign3A_66 : i1 to i32
      %sign3A_68 = arith.subi %sign3A_64, %sign3A_67 : i32
      %sign3A_69 = arith.constant 0 : i32
      %sign3A_70 = arith.cmpi sgt, %jit3A_60, %sign3A_69 : i32
      %sign3A_71 = arith.extui %sign3A_70 : i1 to i32
      %sign3A_72 = arith.constant 0 : i32
      %sign3A_73 = arith.cmpi slt, %jit3A_60, %sign3A_72 : i32
      %sign3A_74 = arith.extui %sign3A_73 : i1 to i32
      %sign3A_75 = arith.subi %sign3A_71, %sign3A_74 : i32
      %ne3A_76 = arith.cmpi ne, %sign3A_68, %sign3A_75 : i32
      %rem3A_77 = arith.remsi %add3A_43, %jit3A_60 : i32
      %ne3A_78 = arith.constant 0 : i32
      %ne3A_79 = arith.cmpi ne, %rem3A_77, %ne3A_78 : i32
      %and3A_80 = arith.andi %ne3A_76, %ne3A_79 : i1
      %sub3A_81 = arith.constant 1 : i32
      %sub3A_82 = arith.subi %div3A_61, %sub3A_81 : i32
      %select_n3A_83 = arith.select %and3A_80, %sub3A_82, %div3A_61 : i32
      %mul3A_84 = arith.constant 16 : i32
      %mul3A_85 = arith.muli %select_n3A_83, %mul3A_84 : i32
      %get3A = arith.constant 0 : i32
      %get3A_86 = arith.index_cast %get3A : i32 to index
      %get3A_87 = arith.index_cast %mul3A_85 : i32 to index
      %get3A_88 = tpu.vector_load %arg4[%get3A_86, %get3A_87] {strides = array<i32>} : memref<3x256xf32, #tpu.memory_space<vmem>>, vector<16xf32>,
      %broadcast_in_dim3A_89 = vector.shape_cast %broadcast_in_dim3A : vector<16xi32> to vector<16x1xi32>
      %gather3A = vector.shape_cast %broadcast_in_dim3A_89 : vector<16x1xi32> to vector<16xi32>
      %gather3A_90 = tpu.dynamic_gather %get3A_88[%gather3A] in [0] : vector<16xf32>, vector<16xi32> -> vector<16xf32>
      %get3A_91 = arith.constant 1 : i32
      %get3A_92 = arith.index_cast %get3A_91 : i32 to index
      %get3A_93 = arith.index_cast %mul3A_85 : i32 to index
      %get3A_94 = tpu.vector_load %arg4[%get3A_92, %get3A_93] {strides = array<i32>} : memref<3x256xf32, #tpu.memory_space<vmem>>, vector<16xf32>,
      %broadcast_in_dim3A_95 = vector.shape_cast %broadcast_in_dim3A : vector<16xi32> to vector<16x1xi32>
      %gather3A_96 = vector.shape_cast %broadcast_in_dim3A_95 : vector<16x1xi32> to vector<16xi32>
      %gather3A_97 = tpu.dynamic_gather %get3A_94[%gather3A_96] in [0] : vector<16xf32>, vector<16xi32> -> vector<16xf32>
      %get3A_98 = arith.constant 2 : i32
      %get3A_99 = arith.index_cast %get3A_98 : i32 to index
      %get3A_100 = arith.index_cast %mul3A_85 : i32 to index
      %get3A_101 = tpu.vector_load %arg4[%get3A_99, %get3A_100] {strides = array<i32>} : memref<3x256xf32, #tpu.memory_space<vmem>>, vector<16xf32>,
      %broadcast_in_dim3A_102 = vector.shape_cast %broadcast_in_dim3A : vector<16xi32> to vector<16x1xi32>
      %gather3A_103 = vector.shape_cast %broadcast_in_dim3A_102 : vector<16x1xi32> to vector<16xi32>
      %gather3A_104 = tpu.dynamic_gather %get3A_101[%gather3A_103] in [0] : vector<16xf32>, vector<16xi32> -> vector<16xf32>
      %broadcast_in_dim3A_105 = arith.constant 3.000000e+38 : f32
      %broadcast_in_dim3A_106 = vector.broadcast %broadcast_in_dim3A_105 : f32 to vector<16xf32>
      %broadcast_in_dim3A_107 = arith.constant 0 : i32
      %broadcast_in_dim3A_108 = vector.broadcast %broadcast_in_dim3A_107 : i32 to vector<16xi32>
      %get3A_109 = arith.constant 0 : i32
      %get3A_110 = arith.index_cast %get3A_109 : i32 to index
      %get3A_111 = arith.constant 0 : index
      %get3A_112 = tpu.vector_load %arg4[%get3A_110, %get3A_111] {strides = array<i32>} : memref<3x256xf32, #tpu.memory_space<vmem>>, vector<16xf32>,
      %sub3A_113 = arith.subf %get3A_112, %gather3A_90 : vector<16xf32>
      %get3A_114 = arith.constant 1 : i32
      %get3A_115 = arith.index_cast %get3A_114 : i32 to index
      %get3A_116 = arith.constant 0 : index
      %get3A_117 = tpu.vector_load %arg4[%get3A_115, %get3A_116] {strides = array<i32>} : memref<3x256xf32, #tpu.memory_space<vmem>>, vector<16xf32>,
      %sub3A_118 = arith.subf %get3A_117, %gather3A_97 : vector<16xf32>
      %get3A_119 = arith.constant 2 : i32
      %get3A_120 = arith.index_cast %get3A_119 : i32 to index
      %get3A_121 = arith.constant 0 : index
      %get3A_122 = tpu.vector_load %arg4[%get3A_120, %get3A_121] {strides = array<i32>} : memref<3x256xf32, #tpu.memory_space<vmem>>, vector<16xf32>,
      %sub3A_123 = arith.subf %get3A_122, %gather3A_104 : vector<16xf32>
      %mul3A_124 = arith.mulf %sub3A_113, %sub3A_113 : vector<16xf32>
      %mul3A_125 = arith.mulf %sub3A_118, %sub3A_118 : vector<16xf32>
      %add3A_126 = arith.addf %mul3A_124, %mul3A_125 : vector<16xf32>
      %mul3A_127 = arith.mulf %sub3A_123, %sub3A_123 : vector<16xf32>
      %add3A_128 = arith.addf %add3A_126, %mul3A_127 : vector<16xf32>
      %add3A_129 = arith.constant 0 : i32
      %add3A_130 = vector.broadcast %add3A_129 : i32 to vector<16xi32>
      %add3A_131 = arith.addi %iota3A, %add3A_130 : vector<16xi32>
      %eq3A_132 = vector.broadcast %add3A_43 : i32 to vector<16xi32>
      %eq3A_133 = arith.cmpi eq, %add3A_131, %eq3A_132 : vector<16xi32>
      %add3A_134 = arith.constant 1.000000e+10 : f32
      %add3A_135 = vector.broadcast %add3A_134 : f32 to vector<16xf32>
      %add3A_136 = arith.addf %add3A_128, %add3A_135 : vector<16xf32>
      %select_n3A_137 = arith.select %eq3A_133, %add3A_136, %add3A_128 : vector<16xi1>, vector<16xf32>
      %sort3A = arith.constant dense<true> : vector<16xi1>
      %sort3A_138, %sort3A_139, %sort3A_140 = tpu.sort %select_n3A_137, %add3A_131 masked %sort3A : (vector<16xf32>, vector<16xi32>, vector<16xi1>) -> (vector<16xi1>, vector<16xf32>, vector<16xi32>)
      %rev3A = arith.constant 15 : i32
      %rev3A_141 = vector.broadcast %rev3A : i32 to vector<16xi32>
      %rev3A_142 = tpu.iota {dimensions = array<i32: 0>} : vector<16xi32>
      %rev3A_143 = arith.subi %rev3A_141, %rev3A_142 : vector<16xi32>
      %rev3A_144 = tpu.dynamic_gather %broadcast_in_dim3A_106[%rev3A_143] in [0] : vector<16xf32>, vector<16xi32> -> vector<16xf32>
      %rev3A_145 = arith.constant 15 : i32
      %rev3A_146 = vector.broadcast %rev3A_145 : i32 to vector<16xi32>
      %rev3A_147 = tpu.iota {dimensions = array<i32: 0>} : vector<16xi32>
      %rev3A_148 = arith.subi %rev3A_146, %rev3A_147 : vector<16xi32>
      %rev3A_149 = tpu.dynamic_gather %broadcast_in_dim3A_108[%rev3A_148] in [0] : vector<16xi32>, vector<16xi32> -> vector<16xi32>
      %lt3A_150 = arith.cmpf olt, %sort3A_139, %rev3A_144 : vector<16xf32>
      %eq3A_151 = arith.cmpf oeq, %sort3A_139, %rev3A_144 : vector<16xf32>
      %select_n3A_152 = arith.select %lt3A_150, %sort3A_139, %rev3A_144 : vector<16xi1>, vector<16xf32>
      %min3A = arith.minsi %sort3A_140, %rev3A_149 : vector<16xi32>
      %select_n3A_153 = arith.select %eq3A_151, %min3A, %rev3A_149 : vector<16xi1>, vector<16xi32>
      %select_n3A_154 = arith.select %lt3A_150, %sort3A_140, %select_n3A_153 : vector<16xi1>, vector<16xi32>
      %sort3A_155 = arith.constant dense<true> : vector<16xi1>
      %sort3A_156, %sort3A_157, %sort3A_158 = tpu.sort %select_n3A_152, %select_n3A_154 masked %sort3A_155 : (vector<16xf32>, vector<16xi32>, vector<16xi1>) -> (vector<16xi1>, vector<16xf32>, vector<16xi32>)
      %get3A_159 = arith.constant 0 : i32
      %get3A_160 = arith.index_cast %get3A_159 : i32 to index
      %get3A_161 = arith.constant 16 : index
      %get3A_162 = tpu.vector_load %arg4[%get3A_160, %get3A_161] {strides = array<i32>} : memref<3x256xf32, #tpu.memory_space<vmem>>, vector<16xf32>,
      %sub3A_163 = arith.subf %get3A_162, %gather3A_90 : vector<16xf32>
      %get3A_164 = arith.constant 1 : i32
      %get3A_165 = arith.index_cast %get3A_164 : i32 to index
      %get3A_166 = arith.constant 16 : index
      %get3A_167 = tpu.vector_load %arg4[%get3A_165, %get3A_166] {strides = array<i32>} : memref<3x256xf32, #tpu.memory_space<vmem>>, vector<16xf32>,
      %sub3A_168 = arith.subf %get3A_167, %gather3A_97 : vector<16xf32>
      %get3A_169 = arith.constant 2 : i32
      %get3A_170 = arith.index_cast %get3A_169 : i32 to index
      %get3A_171 = arith.constant 16 : index
      %get3A_172 = tpu.vector_load %arg4[%get3A_170, %get3A_171] {strides = array<i32>} : memref<3x256xf32, #tpu.memory_space<vmem>>, vector<16xf32>,
      %sub3A_173 = arith.subf %get3A_172, %gather3A_104 : vector<16xf32>
      %mul3A_174 = arith.mulf %sub3A_163, %sub3A_163 : vector<16xf32>
      %mul3A_175 = arith.mulf %sub3A_168, %sub3A_168 : vector<16xf32>
      %add3A_176 = arith.addf %mul3A_174, %mul3A_175 : vector<16xf32>
      %mul3A_177 = arith.mulf %sub3A_173, %sub3A_173 : vector<16xf32>
      %add3A_178 = arith.addf %add3A_176, %mul3A_177 : vector<16xf32>
      %add3A_179 = arith.constant 16 : i32
      %add3A_180 = vector.broadcast %add3A_179 : i32 to vector<16xi32>
      %add3A_181 = arith.addi %iota3A, %add3A_180 : vector<16xi32>
      %eq3A_182 = vector.broadcast %add3A_43 : i32 to vector<16xi32>
      %eq3A_183 = arith.cmpi eq, %add3A_181, %eq3A_182 : vector<16xi32>
      %add3A_184 = arith.constant 1.000000e+10 : f32
      %add3A_185 = vector.broadcast %add3A_184 : f32 to vector<16xf32>
      %add3A_186 = arith.addf %add3A_178, %add3A_185 : vector<16xf32>
      %select_n3A_187 = arith.select %eq3A_183, %add3A_186, %add3A_178 : vector<16xi1>, vector<16xf32>
      %sort3A_188 = arith.constant dense<true> : vector<16xi1>
      %sort3A_189, %sort3A_190, %sort3A_191 = tpu.sort %select_n3A_187, %add3A_181 masked %sort3A_188 : (vector<16xf32>, vector<16xi32>, vector<16xi1>) -> (vector<16xi1>, vector<16xf32>, vector<16xi32>)
      %rev3A_192 = arith.constant 15 : i32
      %rev3A_193 = vector.broadcast %rev3A_192 : i32 to vector<16xi32>
      %rev3A_194 = tpu.iota {dimensions = array<i32: 0>} : vector<16xi32>
      %rev3A_195 = arith.subi %rev3A_193, %rev3A_194 : vector<16xi32>
      %rev3A_196 = tpu.dynamic_gather %sort3A_157[%rev3A_195] in [0] : vector<16xf32>, vector<16xi32> -> vector<16xf32>
      %rev3A_197 = arith.constant 15 : i32
      %rev3A_198 = vector.broadcast %rev3A_197 : i32 to vector<16xi32>
      %rev3A_199 = tpu.iota {dimensions = array<i32: 0>} : vector<16xi32>
      %rev3A_200 = arith.subi %rev3A_198, %rev3A_199 : vector<16xi32>
      %rev3A_201 = tpu.dynamic_gather %sort3A_158[%rev3A_200] in [0] : vector<16xi32>, vector<16xi32> -> vector<16xi32>
      %lt3A_202 = arith.cmpf olt, %sort3A_190, %rev3A_196 : vector<16xf32>
      %eq3A_203 = arith.cmpf oeq, %sort3A_190, %rev3A_196 : vector<16xf32>
      %select_n3A_204 = arith.select %lt3A_202, %sort3A_190, %rev3A_196 : vector<16xi1>, vector<16xf32>
      %min3A_205 = arith.minsi %sort3A_191, %rev3A_201 : vector<16xi32>
      %select_n3A_206 = arith.select %eq3A_203, %min3A_205, %rev3A_201 : vector<16xi1>, vector<16xi32>
      %select_n3A_207 = arith.select %lt3A_202, %sort3A_191, %select_n3A_206 : vector<16xi1>, vector<16xi32>
      %sort3A_208 = arith.constant dense<true> : vector<16xi1>
      %sort3A_209, %sort3A_210, %sort3A_211 = tpu.sort %select_n3A_204, %select_n3A_207 masked %sort3A_208 : (vector<16xf32>, vector<16xi32>, vector<16xi1>) -> (vector<16xi1>, vector<16xf32>, vector<16xi32>)
      %get3A_212 = arith.constant 0 : i32
      %get3A_213 = arith.index_cast %get3A_212 : i32 to index
      %get3A_214 = arith.constant 32 : index
      %get3A_215 = tpu.vector_load %arg4[%get3A_213, %get3A_214] {strides = array<i32>} : memref<3x256xf32, #tpu.memory_space<vmem>>, vector<16xf32>,
      %sub3A_216 = arith.subf %get3A_215, %gather3A_90 : vector<16xf32>
      %get3A_217 = arith.constant 1 : i32
      %get3A_218 = arith.index_cast %get3A_217 : i32 to index
      %get3A_219 = arith.constant 32 : index
      %get3A_220 = tpu.vector_load %arg4[%get3A_218, %get3A_219] {strides = array<i32>} : memref<3x256xf32, #tpu.memory_space<vmem>>, vector<16xf32>,
      %sub3A_221 = arith.subf %get3A_220, %gather3A_97 : vector<16xf32>
      %get3A_222 = arith.constant 2 : i32
      %get3A_223 = arith.index_cast %get3A_222 : i32 to index
      %get3A_224 = arith.constant 32 : index
      %get3A_225 = tpu.vector_load %arg4[%get3A_223, %get3A_224] {strides = array<i32>} : memref<3x256xf32, #tpu.memory_space<vmem>>, vector<16xf32>,
      %sub3A_226 = arith.subf %get3A_225, %gather3A_104 : vector<16xf32>
      %mul3A_227 = arith.mulf %sub3A_216, %sub3A_216 : vector<16xf32>
      %mul3A_228 = arith.mulf %sub3A_221, %sub3A_221 : vector<16xf32>
      %add3A_229 = arith.addf %mul3A_227, %mul3A_228 : vector<16xf32>
      %mul3A_230 = arith.mulf %sub3A_226, %sub3A_226 : vector<16xf32>
      %add3A_231 = arith.addf %add3A_229, %mul3A_230 : vector<16xf32>
      %add3A_232 = arith.constant 32 : i32
      %add3A_233 = vector.broadcast %add3A_232 : i32 to vector<16xi32>
      %add3A_234 = arith.addi %iota3A, %add3A_233 : vector<16xi32>
      %eq3A_235 = vector.broadcast %add3A_43 : i32 to vector<16xi32>
      %eq3A_236 = arith.cmpi eq, %add3A_234, %eq3A_235 : vector<16xi32>
      %add3A_237 = arith.constant 1.000000e+10 : f32
      %add3A_238 = vector.broadcast %add3A_237 : f32 to vector<16xf32>
      %add3A_239 = arith.addf %add3A_231, %add3A_238 : vector<16xf32>
      %select_n3A_240 = arith.select %eq3A_236, %add3A_239, %add3A_231 : vector<16xi1>, vector<16xf32>
      %sort3A_241 = arith.constant dense<true> : vector<16xi1>
      %sort3A_242, %sort3A_243, %sort3A_244 = tpu.sort %select_n3A_240, %add3A_234 masked %sort3A_241 : (vector<16xf32>, vector<16xi32>, vector<16xi1>) -> (vector<16xi1>, vector<16xf32>, vector<16xi32>)
      %rev3A_245 = arith.constant 15 : i32
      %rev3A_246 = vector.broadcast %rev3A_245 : i32 to vector<16xi32>
      %rev3A_247 = tpu.iota {dimensions = array<i32: 0>} : vector<16xi32>
      %rev3A_248 = arith.subi %rev3A_246, %rev3A_247 : vector<16xi32>
      %rev3A_249 = tpu.dynamic_gather %sort3A_210[%rev3A_248] in [0] : vector<16xf32>, vector<16xi32> -> vector<16xf32>
      %rev3A_250 = arith.constant 15 : i32
      %rev3A_251 = vector.broadcast %rev3A_250 : i32 to vector<16xi32>
      %rev3A_252 = tpu.iota {dimensions = array<i32: 0>} : vector<16xi32>
      %rev3A_253 = arith.subi %rev3A_251, %rev3A_252 : vector<16xi32>
      %rev3A_254 = tpu.dynamic_gather %sort3A_211[%rev3A_253] in [0] : vector<16xi32>, vector<16xi32> -> vector<16xi32>
      %lt3A_255 = arith.cmpf olt, %sort3A_243, %rev3A_249 : vector<16xf32>
      %eq3A_256 = arith.cmpf oeq, %sort3A_243, %rev3A_249 : vector<16xf32>
      %select_n3A_257 = arith.select %lt3A_255, %sort3A_243, %rev3A_249 : vector<16xi1>, vector<16xf32>
      %min3A_258 = arith.minsi %sort3A_244, %rev3A_254 : vector<16xi32>
      %select_n3A_259 = arith.select %eq3A_256, %min3A_258, %rev3A_254 : vector<16xi1>, vector<16xi32>
      %select_n3A_260 = arith.select %lt3A_255, %sort3A_244, %select_n3A_259 : vector<16xi1>, vector<16xi32>
      %sort3A_261 = arith.constant dense<true> : vector<16xi1>
      %sort3A_262, %sort3A_263, %sort3A_264 = tpu.sort %select_n3A_257, %select_n3A_260 masked %sort3A_261 : (vector<16xf32>, vector<16xi32>, vector<16xi1>) -> (vector<16xi1>, vector<16xf32>, vector<16xi32>)
      %get3A_265 = arith.constant 0 : i32
      %get3A_266 = arith.index_cast %get3A_265 : i32 to index
      %get3A_267 = arith.constant 48 : index
      %get3A_268 = tpu.vector_load %arg4[%get3A_266, %get3A_267] {strides = array<i32>} : memref<3x256xf32, #tpu.memory_space<vmem>>, vector<16xf32>,
      %sub3A_269 = arith.subf %get3A_268, %gather3A_90 : vector<16xf32>
      %get3A_270 = arith.constant 1 : i32
      %get3A_271 = arith.index_cast %get3A_270 : i32 to index
      %get3A_272 = arith.constant 48 : index
      %get3A_273 = tpu.vector_load %arg4[%get3A_271, %get3A_272] {strides = array<i32>} : memref<3x256xf32, #tpu.memory_space<vmem>>, vector<16xf32>,
      %sub3A_274 = arith.subf %get3A_273, %gather3A_97 : vector<16xf32>
      %get3A_275 = arith.constant 2 : i32
      %get3A_276 = arith.index_cast %get3A_275 : i32 to index
      %get3A_277 = arith.constant 48 : index
      %get3A_278 = tpu.vector_load %arg4[%get3A_276, %get3A_277] {strides = array<i32>} : memref<3x256xf32, #tpu.memory_space<vmem>>, vector<16xf32>,
      %sub3A_279 = arith.subf %get3A_278, %gather3A_104 : vector<16xf32>
      %mul3A_280 = arith.mulf %sub3A_269, %sub3A_269 : vector<16xf32>
      %mul3A_281 = arith.mulf %sub3A_274, %sub3A_274 : vector<16xf32>
      %add3A_282 = arith.addf %mul3A_280, %mul3A_281 : vector<16xf32>
      %mul3A_283 = arith.mulf %sub3A_279, %sub3A_279 : vector<16xf32>
      %add3A_284 = arith.addf %add3A_282, %mul3A_283 : vector<16xf32>
      %add3A_285 = arith.constant 48 : i32
      %add3A_286 = vector.broadcast %add3A_285 : i32 to vector<16xi32>
      %add3A_287 = arith.addi %iota3A, %add3A_286 : vector<16xi32>
      %eq3A_288 = vector.broadcast %add3A_43 : i32 to vector<16xi32>
      %eq3A_289 = arith.cmpi eq, %add3A_287, %eq3A_288 : vector<16xi32>
      %add3A_290 = arith.constant 1.000000e+10 : f32
      %add3A_291 = vector.broadcast %add3A_290 : f32 to vector<16xf32>
      %add3A_292 = arith.addf %add3A_284, %add3A_291 : vector<16xf32>
      %select_n3A_293 = arith.select %eq3A_289, %add3A_292, %add3A_284 : vector<16xi1>, vector<16xf32>
      %sort3A_294 = arith.constant dense<true> : vector<16xi1>
      %sort3A_295, %sort3A_296, %sort3A_297 = tpu.sort %select_n3A_293, %add3A_287 masked %sort3A_294 : (vector<16xf32>, vector<16xi32>, vector<16xi1>) -> (vector<16xi1>, vector<16xf32>, vector<16xi32>)
      %rev3A_298 = arith.constant 15 : i32
      %rev3A_299 = vector.broadcast %rev3A_298 : i32 to vector<16xi32>
      %rev3A_300 = tpu.iota {dimensions = array<i32: 0>} : vector<16xi32>
      %rev3A_301 = arith.subi %rev3A_299, %rev3A_300 : vector<16xi32>
      %rev3A_302 = tpu.dynamic_gather %sort3A_263[%rev3A_301] in [0] : vector<16xf32>, vector<16xi32> -> vector<16xf32>
      %rev3A_303 = arith.constant 15 : i32
      %rev3A_304 = vector.broadcast %rev3A_303 : i32 to vector<16xi32>
      %rev3A_305 = tpu.iota {dimensions = array<i32: 0>} : vector<16xi32>
      %rev3A_306 = arith.subi %rev3A_304, %rev3A_305 : vector<16xi32>
      %rev3A_307 = tpu.dynamic_gather %sort3A_264[%rev3A_306] in [0] : vector<16xi32>, vector<16xi32> -> vector<16xi32>
      %lt3A_308 = arith.cmpf olt, %sort3A_296, %rev3A_302 : vector<16xf32>
      %eq3A_309 = arith.cmpf oeq, %sort3A_296, %rev3A_302 : vector<16xf32>
      %select_n3A_310 = arith.select %lt3A_308, %sort3A_296, %rev3A_302 : vector<16xi1>, vector<16xf32>
      %min3A_311 = arith.minsi %sort3A_297, %rev3A_307 : vector<16xi32>
      %select_n3A_312 = arith.select %eq3A_309, %min3A_311, %rev3A_307 : vector<16xi1>, vector<16xi32>
      %select_n3A_313 = arith.select %lt3A_308, %sort3A_297, %select_n3A_312 : vector<16xi1>, vector<16xi32>
      %sort3A_314 = arith.constant dense<true> : vector<16xi1>
      %sort3A_315, %sort3A_316, %sort3A_317 = tpu.sort %select_n3A_310, %select_n3A_313 masked %sort3A_314 : (vector<16xf32>, vector<16xi32>, vector<16xi1>) -> (vector<16xi1>, vector<16xf32>, vector<16xi32>)
      %get3A_318 = arith.constant 0 : i32
      %get3A_319 = arith.index_cast %get3A_318 : i32 to index
      %get3A_320 = arith.constant 64 : index
      %get3A_321 = tpu.vector_load %arg4[%get3A_319, %get3A_320] {strides = array<i32>} : memref<3x256xf32, #tpu.memory_space<vmem>>, vector<16xf32>,
      %sub3A_322 = arith.subf %get3A_321, %gather3A_90 : vector<16xf32>
      %get3A_323 = arith.constant 1 : i32
      %get3A_324 = arith.index_cast %get3A_323 : i32 to index
      %get3A_325 = arith.constant 64 : index
      %get3A_326 = tpu.vector_load %arg4[%get3A_324, %get3A_325] {strides = array<i32>} : memref<3x256xf32, #tpu.memory_space<vmem>>, vector<16xf32>,
      %sub3A_327 = arith.subf %get3A_326, %gather3A_97 : vector<16xf32>
      %get3A_328 = arith.constant 2 : i32
      %get3A_329 = arith.index_cast %get3A_328 : i32 to index
      %get3A_330 = arith.constant 64 : index
      %get3A_331 = tpu.vector_load %arg4[%get3A_329, %get3A_330] {strides = array<i32>} : memref<3x256xf32, #tpu.memory_space<vmem>>, vector<16xf32>,
      %sub3A_332 = arith.subf %get3A_331, %gather3A_104 : vector<16xf32>
      %mul3A_333 = arith.mulf %sub3A_322, %sub3A_322 : vector<16xf32>
      %mul3A_334 = arith.mulf %sub3A_327, %sub3A_327 : vector<16xf32>
      %add3A_335 = arith.addf %mul3A_333, %mul3A_334 : vector<16xf32>
      %mul3A_336 = arith.mulf %sub3A_332, %sub3A_332 : vector<16xf32>
      %add3A_337 = arith.addf %add3A_335, %mul3A_336 : vector<16xf32>
      %add3A_338 = arith.constant 64 : i32
      %add3A_339 = vector.broadcast %add3A_338 : i32 to vector<16xi32>
      %add3A_340 = arith.addi %iota3A, %add3A_339 : vector<16xi32>
      %eq3A_341 = vector.broadcast %add3A_43 : i32 to vector<16xi32>
      %eq3A_342 = arith.cmpi eq, %add3A_340, %eq3A_341 : vector<16xi32>
      %add3A_343 = arith.constant 1.000000e+10 : f32
      %add3A_344 = vector.broadcast %add3A_343 : f32 to vector<16xf32>
      %add3A_345 = arith.addf %add3A_337, %add3A_344 : vector<16xf32>
      %select_n3A_346 = arith.select %eq3A_342, %add3A_345, %add3A_337 : vector<16xi1>, vector<16xf32>
      %sort3A_347 = arith.constant dense<true> : vector<16xi1>
      %sort3A_348, %sort3A_349, %sort3A_350 = tpu.sort %select_n3A_346, %add3A_340 masked %sort3A_347 : (vector<16xf32>, vector<16xi32>, vector<16xi1>) -> (vector<16xi1>, vector<16xf32>, vector<16xi32>)
      %rev3A_351 = arith.constant 15 : i32
      %rev3A_352 = vector.broadcast %rev3A_351 : i32 to vector<16xi32>
      %rev3A_353 = tpu.iota {dimensions = array<i32: 0>} : vector<16xi32>
      %rev3A_354 = arith.subi %rev3A_352, %rev3A_353 : vector<16xi32>
      %rev3A_355 = tpu.dynamic_gather %sort3A_316[%rev3A_354] in [0] : vector<16xf32>, vector<16xi32> -> vector<16xf32>
      %rev3A_356 = arith.constant 15 : i32
      %rev3A_357 = vector.broadcast %rev3A_356 : i32 to vector<16xi32>
      %rev3A_358 = tpu.iota {dimensions = array<i32: 0>} : vector<16xi32>
      %rev3A_359 = arith.subi %rev3A_357, %rev3A_358 : vector<16xi32>
      %rev3A_360 = tpu.dynamic_gather %sort3A_317[%rev3A_359] in [0] : vector<16xi32>, vector<16xi32> -> vector<16xi32>
      %lt3A_361 = arith.cmpf olt, %sort3A_349, %rev3A_355 : vector<16xf32>
      %eq3A_362 = arith.cmpf oeq, %sort3A_349, %rev3A_355 : vector<16xf32>
      %select_n3A_363 = arith.select %lt3A_361, %sort3A_349, %rev3A_355 : vector<16xi1>, vector<16xf32>
      %min3A_364 = arith.minsi %sort3A_350, %rev3A_360 : vector<16xi32>
      %select_n3A_365 = arith.select %eq3A_362, %min3A_364, %rev3A_360 : vector<16xi1>, vector<16xi32>
      %select_n3A_366 = arith.select %lt3A_361, %sort3A_350, %select_n3A_365 : vector<16xi1>, vector<16xi32>
      %sort3A_367 = arith.constant dense<true> : vector<16xi1>
      %sort3A_368, %sort3A_369, %sort3A_370 = tpu.sort %select_n3A_363, %select_n3A_366 masked %sort3A_367 : (vector<16xf32>, vector<16xi32>, vector<16xi1>) -> (vector<16xi1>, vector<16xf32>, vector<16xi32>)
      %get3A_371 = arith.constant 0 : i32
      %get3A_372 = arith.index_cast %get3A_371 : i32 to index
      %get3A_373 = arith.constant 80 : index
      %get3A_374 = tpu.vector_load %arg4[%get3A_372, %get3A_373] {strides = array<i32>} : memref<3x256xf32, #tpu.memory_space<vmem>>, vector<16xf32>,
      %sub3A_375 = arith.subf %get3A_374, %gather3A_90 : vector<16xf32>
      %get3A_376 = arith.constant 1 : i32
      %get3A_377 = arith.index_cast %get3A_376 : i32 to index
      %get3A_378 = arith.constant 80 : index
      %get3A_379 = tpu.vector_load %arg4[%get3A_377, %get3A_378] {strides = array<i32>} : memref<3x256xf32, #tpu.memory_space<vmem>>, vector<16xf32>,
      %sub3A_380 = arith.subf %get3A_379, %gather3A_97 : vector<16xf32>
      %get3A_381 = arith.constant 2 : i32
      %get3A_382 = arith.index_cast %get3A_381 : i32 to index
      %get3A_383 = arith.constant 80 : index
      %get3A_384 = tpu.vector_load %arg4[%get3A_382, %get3A_383] {strides = array<i32>} : memref<3x256xf32, #tpu.memory_space<vmem>>, vector<16xf32>,
      %sub3A_385 = arith.subf %get3A_384, %gather3A_104 : vector<16xf32>
      %mul3A_386 = arith.mulf %sub3A_375, %sub3A_375 : vector<16xf32>
      %mul3A_387 = arith.mulf %sub3A_380, %sub3A_380 : vector<16xf32>
      %add3A_388 = arith.addf %mul3A_386, %mul3A_387 : vector<16xf32>
      %mul3A_389 = arith.mulf %sub3A_385, %sub3A_385 : vector<16xf32>
      %add3A_390 = arith.addf %add3A_388, %mul3A_389 : vector<16xf32>
      %add3A_391 = arith.constant 80 : i32
      %add3A_392 = vector.broadcast %add3A_391 : i32 to vector<16xi32>
      %add3A_393 = arith.addi %iota3A, %add3A_392 : vector<16xi32>
      %eq3A_394 = vector.broadcast %add3A_43 : i32 to vector<16xi32>
      %eq3A_395 = arith.cmpi eq, %add3A_393, %eq3A_394 : vector<16xi32>
      %add3A_396 = arith.constant 1.000000e+10 : f32
      %add3A_397 = vector.broadcast %add3A_396 : f32 to vector<16xf32>
      %add3A_398 = arith.addf %add3A_390, %add3A_397 : vector<16xf32>
      %select_n3A_399 = arith.select %eq3A_395, %add3A_398, %add3A_390 : vector<16xi1>, vector<16xf32>
      %sort3A_400 = arith.constant dense<true> : vector<16xi1>
      %sort3A_401, %sort3A_402, %sort3A_403 = tpu.sort %select_n3A_399, %add3A_393 masked %sort3A_400 : (vector<16xf32>, vector<16xi32>, vector<16xi1>) -> (vector<16xi1>, vector<16xf32>, vector<16xi32>)
      %rev3A_404 = arith.constant 15 : i32
      %rev3A_405 = vector.broadcast %rev3A_404 : i32 to vector<16xi32>
      %rev3A_406 = tpu.iota {dimensions = array<i32: 0>} : vector<16xi32>
      %rev3A_407 = arith.subi %rev3A_405, %rev3A_406 : vector<16xi32>
      %rev3A_408 = tpu.dynamic_gather %sort3A_369[%rev3A_407] in [0] : vector<16xf32>, vector<16xi32> -> vector<16xf32>
      %rev3A_409 = arith.constant 15 : i32
      %rev3A_410 = vector.broadcast %rev3A_409 : i32 to vector<16xi32>
      %rev3A_411 = tpu.iota {dimensions = array<i32: 0>} : vector<16xi32>
      %rev3A_412 = arith.subi %rev3A_410, %rev3A_411 : vector<16xi32>
      %rev3A_413 = tpu.dynamic_gather %sort3A_370[%rev3A_412] in [0] : vector<16xi32>, vector<16xi32> -> vector<16xi32>
      %lt3A_414 = arith.cmpf olt, %sort3A_402, %rev3A_408 : vector<16xf32>
      %eq3A_415 = arith.cmpf oeq, %sort3A_402, %rev3A_408 : vector<16xf32>
      %select_n3A_416 = arith.select %lt3A_414, %sort3A_402, %rev3A_408 : vector<16xi1>, vector<16xf32>
      %min3A_417 = arith.minsi %sort3A_403, %rev3A_413 : vector<16xi32>
      %select_n3A_418 = arith.select %eq3A_415, %min3A_417, %rev3A_413 : vector<16xi1>, vector<16xi32>
      %select_n3A_419 = arith.select %lt3A_414, %sort3A_403, %select_n3A_418 : vector<16xi1>, vector<16xi32>
      %sort3A_420 = arith.constant dense<true> : vector<16xi1>
      %sort3A_421, %sort3A_422, %sort3A_423 = tpu.sort %select_n3A_416, %select_n3A_419 masked %sort3A_420 : (vector<16xf32>, vector<16xi32>, vector<16xi1>) -> (vector<16xi1>, vector<16xf32>, vector<16xi32>)
      %get3A_424 = arith.constant 0 : i32
      %get3A_425 = arith.index_cast %get3A_424 : i32 to index
      %get3A_426 = arith.constant 96 : index
      %get3A_427 = tpu.vector_load %arg4[%get3A_425, %get3A_426] {strides = array<i32>} : memref<3x256xf32, #tpu.memory_space<vmem>>, vector<16xf32>,
      %sub3A_428 = arith.subf %get3A_427, %gather3A_90 : vector<16xf32>
      %get3A_429 = arith.constant 1 : i32
      %get3A_430 = arith.index_cast %get3A_429 : i32 to index
      %get3A_431 = arith.constant 96 : index
      %get3A_432 = tpu.vector_load %arg4[%get3A_430, %get3A_431] {strides = array<i32>} : memref<3x256xf32, #tpu.memory_space<vmem>>, vector<16xf32>,
      %sub3A_433 = arith.subf %get3A_432, %gather3A_97 : vector<16xf32>
      %get3A_434 = arith.constant 2 : i32
      %get3A_435 = arith.index_cast %get3A_434 : i32 to index
      %get3A_436 = arith.constant 96 : index
      %get3A_437 = tpu.vector_load %arg4[%get3A_435, %get3A_436] {strides = array<i32>} : memref<3x256xf32, #tpu.memory_space<vmem>>, vector<16xf32>,
      %sub3A_438 = arith.subf %get3A_437, %gather3A_104 : vector<16xf32>
      %mul3A_439 = arith.mulf %sub3A_428, %sub3A_428 : vector<16xf32>
      %mul3A_440 = arith.mulf %sub3A_433, %sub3A_433 : vector<16xf32>
      %add3A_441 = arith.addf %mul3A_439, %mul3A_440 : vector<16xf32>
      %mul3A_442 = arith.mulf %sub3A_438, %sub3A_438 : vector<16xf32>
      %add3A_443 = arith.addf %add3A_441, %mul3A_442 : vector<16xf32>
      %add3A_444 = arith.constant 96 : i32
      %add3A_445 = vector.broadcast %add3A_444 : i32 to vector<16xi32>
      %add3A_446 = arith.addi %iota3A, %add3A_445 : vector<16xi32>
      %eq3A_447 = vector.broadcast %add3A_43 : i32 to vector<16xi32>
      %eq3A_448 = arith.cmpi eq, %add3A_446, %eq3A_447 : vector<16xi32>
      %add3A_449 = arith.constant 1.000000e+10 : f32
      %add3A_450 = vector.broadcast %add3A_449 : f32 to vector<16xf32>
      %add3A_451 = arith.addf %add3A_443, %add3A_450 : vector<16xf32>
      %select_n3A_452 = arith.select %eq3A_448, %add3A_451, %add3A_443 : vector<16xi1>, vector<16xf32>
      %sort3A_453 = arith.constant dense<true> : vector<16xi1>
      %sort3A_454, %sort3A_455, %sort3A_456 = tpu.sort %select_n3A_452, %add3A_446 masked %sort3A_453 : (vector<16xf32>, vector<16xi32>, vector<16xi1>) -> (vector<16xi1>, vector<16xf32>, vector<16xi32>)
      %rev3A_457 = arith.constant 15 : i32
      %rev3A_458 = vector.broadcast %rev3A_457 : i32 to vector<16xi32>
      %rev3A_459 = tpu.iota {dimensions = array<i32: 0>} : vector<16xi32>
      %rev3A_460 = arith.subi %rev3A_458, %rev3A_459 : vector<16xi32>
      %rev3A_461 = tpu.dynamic_gather %sort3A_422[%rev3A_460] in [0] : vector<16xf32>, vector<16xi32> -> vector<16xf32>
      %rev3A_462 = arith.constant 15 : i32
      %rev3A_463 = vector.broadcast %rev3A_462 : i32 to vector<16xi32>
      %rev3A_464 = tpu.iota {dimensions = array<i32: 0>} : vector<16xi32>
      %rev3A_465 = arith.subi %rev3A_463, %rev3A_464 : vector<16xi32>
      %rev3A_466 = tpu.dynamic_gather %sort3A_423[%rev3A_465] in [0] : vector<16xi32>, vector<16xi32> -> vector<16xi32>
      %lt3A_467 = arith.cmpf olt, %sort3A_455, %rev3A_461 : vector<16xf32>
      %eq3A_468 = arith.cmpf oeq, %sort3A_455, %rev3A_461 : vector<16xf32>
      %select_n3A_469 = arith.select %lt3A_467, %sort3A_455, %rev3A_461 : vector<16xi1>, vector<16xf32>
      %min3A_470 = arith.minsi %sort3A_456, %rev3A_466 : vector<16xi32>
      %select_n3A_471 = arith.select %eq3A_468, %min3A_470, %rev3A_466 : vector<16xi1>, vector<16xi32>
      %select_n3A_472 = arith.select %lt3A_467, %sort3A_456, %select_n3A_471 : vector<16xi1>, vector<16xi32>
      %sort3A_473 = arith.constant dense<true> : vector<16xi1>
      %sort3A_474, %sort3A_475, %sort3A_476 = tpu.sort %select_n3A_469, %select_n3A_472 masked %sort3A_473 : (vector<16xf32>, vector<16xi32>, vector<16xi1>) -> (vector<16xi1>, vector<16xf32>, vector<16xi32>)
      %get3A_477 = arith.constant 0 : i32
      %get3A_478 = arith.index_cast %get3A_477 : i32 to index
      %get3A_479 = arith.constant 112 : index
      %get3A_480 = tpu.vector_load %arg4[%get3A_478, %get3A_479] {strides = array<i32>} : memref<3x256xf32, #tpu.memory_space<vmem>>, vector<16xf32>,
      %sub3A_481 = arith.subf %get3A_480, %gather3A_90 : vector<16xf32>
      %get3A_482 = arith.constant 1 : i32
      %get3A_483 = arith.index_cast %get3A_482 : i32 to index
      %get3A_484 = arith.constant 112 : index
      %get3A_485 = tpu.vector_load %arg4[%get3A_483, %get3A_484] {strides = array<i32>} : memref<3x256xf32, #tpu.memory_space<vmem>>, vector<16xf32>,
      %sub3A_486 = arith.subf %get3A_485, %gather3A_97 : vector<16xf32>
      %get3A_487 = arith.constant 2 : i32
      %get3A_488 = arith.index_cast %get3A_487 : i32 to index
      %get3A_489 = arith.constant 112 : index
      %get3A_490 = tpu.vector_load %arg4[%get3A_488, %get3A_489] {strides = array<i32>} : memref<3x256xf32, #tpu.memory_space<vmem>>, vector<16xf32>,
      %sub3A_491 = arith.subf %get3A_490, %gather3A_104 : vector<16xf32>
      %mul3A_492 = arith.mulf %sub3A_481, %sub3A_481 : vector<16xf32>
      %mul3A_493 = arith.mulf %sub3A_486, %sub3A_486 : vector<16xf32>
      %add3A_494 = arith.addf %mul3A_492, %mul3A_493 : vector<16xf32>
      %mul3A_495 = arith.mulf %sub3A_491, %sub3A_491 : vector<16xf32>
      %add3A_496 = arith.addf %add3A_494, %mul3A_495 : vector<16xf32>
      %add3A_497 = arith.constant 112 : i32
      %add3A_498 = vector.broadcast %add3A_497 : i32 to vector<16xi32>
      %add3A_499 = arith.addi %iota3A, %add3A_498 : vector<16xi32>
      %eq3A_500 = vector.broadcast %add3A_43 : i32 to vector<16xi32>
      %eq3A_501 = arith.cmpi eq, %add3A_499, %eq3A_500 : vector<16xi32>
      %add3A_502 = arith.constant 1.000000e+10 : f32
      %add3A_503 = vector.broadcast %add3A_502 : f32 to vector<16xf32>
      %add3A_504 = arith.addf %add3A_496, %add3A_503 : vector<16xf32>
      %select_n3A_505 = arith.select %eq3A_501, %add3A_504, %add3A_496 : vector<16xi1>, vector<16xf32>
      %sort3A_506 = arith.constant dense<true> : vector<16xi1>
      %sort3A_507, %sort3A_508, %sort3A_509 = tpu.sort %select_n3A_505, %add3A_499 masked %sort3A_506 : (vector<16xf32>, vector<16xi32>, vector<16xi1>) -> (vector<16xi1>, vector<16xf32>, vector<16xi32>)
      %rev3A_510 = arith.constant 15 : i32
      %rev3A_511 = vector.broadcast %rev3A_510 : i32 to vector<16xi32>
      %rev3A_512 = tpu.iota {dimensions = array<i32: 0>} : vector<16xi32>
      %rev3A_513 = arith.subi %rev3A_511, %rev3A_512 : vector<16xi32>
      %rev3A_514 = tpu.dynamic_gather %sort3A_475[%rev3A_513] in [0] : vector<16xf32>, vector<16xi32> -> vector<16xf32>
      %rev3A_515 = arith.constant 15 : i32
      %rev3A_516 = vector.broadcast %rev3A_515 : i32 to vector<16xi32>
      %rev3A_517 = tpu.iota {dimensions = array<i32: 0>} : vector<16xi32>
      %rev3A_518 = arith.subi %rev3A_516, %rev3A_517 : vector<16xi32>
      %rev3A_519 = tpu.dynamic_gather %sort3A_476[%rev3A_518] in [0] : vector<16xi32>, vector<16xi32> -> vector<16xi32>
      %lt3A_520 = arith.cmpf olt, %sort3A_508, %rev3A_514 : vector<16xf32>
      %eq3A_521 = arith.cmpf oeq, %sort3A_508, %rev3A_514 : vector<16xf32>
      %select_n3A_522 = arith.select %lt3A_520, %sort3A_508, %rev3A_514 : vector<16xi1>, vector<16xf32>
      %min3A_523 = arith.minsi %sort3A_509, %rev3A_519 : vector<16xi32>
      %select_n3A_524 = arith.select %eq3A_521, %min3A_523, %rev3A_519 : vector<16xi1>, vector<16xi32>
      %select_n3A_525 = arith.select %lt3A_520, %sort3A_509, %select_n3A_524 : vector<16xi1>, vector<16xi32>
      %sort3A_526 = arith.constant dense<true> : vector<16xi1>
      %sort3A_527, %sort3A_528, %sort3A_529 = tpu.sort %select_n3A_522, %select_n3A_525 masked %sort3A_526 : (vector<16xf32>, vector<16xi32>, vector<16xi1>) -> (vector<16xi1>, vector<16xf32>, vector<16xi32>)
      %get3A_530 = arith.constant 0 : i32
      %get3A_531 = arith.index_cast %get3A_530 : i32 to index
      %get3A_532 = arith.constant 128 : index
      %get3A_533 = tpu.vector_load %arg4[%get3A_531, %get3A_532] {strides = array<i32>} : memref<3x256xf32, #tpu.memory_space<vmem>>, vector<16xf32>,
      %sub3A_534 = arith.subf %get3A_533, %gather3A_90 : vector<16xf32>
      %get3A_535 = arith.constant 1 : i32
      %get3A_536 = arith.index_cast %get3A_535 : i32 to index
      %get3A_537 = arith.constant 128 : index
      %get3A_538 = tpu.vector_load %arg4[%get3A_536, %get3A_537] {strides = array<i32>} : memref<3x256xf32, #tpu.memory_space<vmem>>, vector<16xf32>,
      %sub3A_539 = arith.subf %get3A_538, %gather3A_97 : vector<16xf32>
      %get3A_540 = arith.constant 2 : i32
      %get3A_541 = arith.index_cast %get3A_540 : i32 to index
      %get3A_542 = arith.constant 128 : index
      %get3A_543 = tpu.vector_load %arg4[%get3A_541, %get3A_542] {strides = array<i32>} : memref<3x256xf32, #tpu.memory_space<vmem>>, vector<16xf32>,
      %sub3A_544 = arith.subf %get3A_543, %gather3A_104 : vector<16xf32>
      %mul3A_545 = arith.mulf %sub3A_534, %sub3A_534 : vector<16xf32>
      %mul3A_546 = arith.mulf %sub3A_539, %sub3A_539 : vector<16xf32>
      %add3A_547 = arith.addf %mul3A_545, %mul3A_546 : vector<16xf32>
      %mul3A_548 = arith.mulf %sub3A_544, %sub3A_544 : vector<16xf32>
      %add3A_549 = arith.addf %add3A_547, %mul3A_548 : vector<16xf32>
      %add3A_550 = arith.constant 128 : i32
      %add3A_551 = vector.broadcast %add3A_550 : i32 to vector<16xi32>
      %add3A_552 = arith.addi %iota3A, %add3A_551 : vector<16xi32>
      %eq3A_553 = vector.broadcast %add3A_43 : i32 to vector<16xi32>
      %eq3A_554 = arith.cmpi eq, %add3A_552, %eq3A_553 : vector<16xi32>
      %add3A_555 = arith.constant 1.000000e+10 : f32
      %add3A_556 = vector.broadcast %add3A_555 : f32 to vector<16xf32>
      %add3A_557 = arith.addf %add3A_549, %add3A_556 : vector<16xf32>
      %select_n3A_558 = arith.select %eq3A_554, %add3A_557, %add3A_549 : vector<16xi1>, vector<16xf32>
      %sort3A_559 = arith.constant dense<true> : vector<16xi1>
      %sort3A_560, %sort3A_561, %sort3A_562 = tpu.sort %select_n3A_558, %add3A_552 masked %sort3A_559 : (vector<16xf32>, vector<16xi32>, vector<16xi1>) -> (vector<16xi1>, vector<16xf32>, vector<16xi32>)
      %rev3A_563 = arith.constant 15 : i32
      %rev3A_564 = vector.broadcast %rev3A_563 : i32 to vector<16xi32>
      %rev3A_565 = tpu.iota {dimensions = array<i32: 0>} : vector<16xi32>
      %rev3A_566 = arith.subi %rev3A_564, %rev3A_565 : vector<16xi32>
      %rev3A_567 = tpu.dynamic_gather %sort3A_528[%rev3A_566] in [0] : vector<16xf32>, vector<16xi32> -> vector<16xf32>
      %rev3A_568 = arith.constant 15 : i32
      %rev3A_569 = vector.broadcast %rev3A_568 : i32 to vector<16xi32>
      %rev3A_570 = tpu.iota {dimensions = array<i32: 0>} : vector<16xi32>
      %rev3A_571 = arith.subi %rev3A_569, %rev3A_570 : vector<16xi32>
      %rev3A_572 = tpu.dynamic_gather %sort3A_529[%rev3A_571] in [0] : vector<16xi32>, vector<16xi32> -> vector<16xi32>
      %lt3A_573 = arith.cmpf olt, %sort3A_561, %rev3A_567 : vector<16xf32>
      %eq3A_574 = arith.cmpf oeq, %sort3A_561, %rev3A_567 : vector<16xf32>
      %select_n3A_575 = arith.select %lt3A_573, %sort3A_561, %rev3A_567 : vector<16xi1>, vector<16xf32>
      %min3A_576 = arith.minsi %sort3A_562, %rev3A_572 : vector<16xi32>
      %select_n3A_577 = arith.select %eq3A_574, %min3A_576, %rev3A_572 : vector<16xi1>, vector<16xi32>
      %select_n3A_578 = arith.select %lt3A_573, %sort3A_562, %select_n3A_577 : vector<16xi1>, vector<16xi32>
      %sort3A_579 = arith.constant dense<true> : vector<16xi1>
      %sort3A_580, %sort3A_581, %sort3A_582 = tpu.sort %select_n3A_575, %select_n3A_578 masked %sort3A_579 : (vector<16xf32>, vector<16xi32>, vector<16xi1>) -> (vector<16xi1>, vector<16xf32>, vector<16xi32>)
      %get3A_583 = arith.constant 0 : i32
      %get3A_584 = arith.index_cast %get3A_583 : i32 to index
      %get3A_585 = arith.constant 144 : index
      %get3A_586 = tpu.vector_load %arg4[%get3A_584, %get3A_585] {strides = array<i32>} : memref<3x256xf32, #tpu.memory_space<vmem>>, vector<16xf32>,
      %sub3A_587 = arith.subf %get3A_586, %gather3A_90 : vector<16xf32>
      %get3A_588 = arith.constant 1 : i32
      %get3A_589 = arith.index_cast %get3A_588 : i32 to index
      %get3A_590 = arith.constant 144 : index
      %get3A_591 = tpu.vector_load %arg4[%get3A_589, %get3A_590] {strides = array<i32>} : memref<3x256xf32, #tpu.memory_space<vmem>>, vector<16xf32>,
      %sub3A_592 = arith.subf %get3A_591, %gather3A_97 : vector<16xf32>
      %get3A_593 = arith.constant 2 : i32
      %get3A_594 = arith.index_cast %get3A_593 : i32 to index
      %get3A_595 = arith.constant 144 : index
      %get3A_596 = tpu.vector_load %arg4[%get3A_594, %get3A_595] {strides = array<i32>} : memref<3x256xf32, #tpu.memory_space<vmem>>, vector<16xf32>,
      %sub3A_597 = arith.subf %get3A_596, %gather3A_104 : vector<16xf32>
      %mul3A_598 = arith.mulf %sub3A_587, %sub3A_587 : vector<16xf32>
      %mul3A_599 = arith.mulf %sub3A_592, %sub3A_592 : vector<16xf32>
      %add3A_600 = arith.addf %mul3A_598, %mul3A_599 : vector<16xf32>
      %mul3A_601 = arith.mulf %sub3A_597, %sub3A_597 : vector<16xf32>
      %add3A_602 = arith.addf %add3A_600, %mul3A_601 : vector<16xf32>
      %add3A_603 = arith.constant 144 : i32
      %add3A_604 = vector.broadcast %add3A_603 : i32 to vector<16xi32>
      %add3A_605 = arith.addi %iota3A, %add3A_604 : vector<16xi32>
      %eq3A_606 = vector.broadcast %add3A_43 : i32 to vector<16xi32>
      %eq3A_607 = arith.cmpi eq, %add3A_605, %eq3A_606 : vector<16xi32>
      %add3A_608 = arith.constant 1.000000e+10 : f32
      %add3A_609 = vector.broadcast %add3A_608 : f32 to vector<16xf32>
      %add3A_610 = arith.addf %add3A_602, %add3A_609 : vector<16xf32>
      %select_n3A_611 = arith.select %eq3A_607, %add3A_610, %add3A_602 : vector<16xi1>, vector<16xf32>
      %sort3A_612 = arith.constant dense<true> : vector<16xi1>
      %sort3A_613, %sort3A_614, %sort3A_615 = tpu.sort %select_n3A_611, %add3A_605 masked %sort3A_612 : (vector<16xf32>, vector<16xi32>, vector<16xi1>) -> (vector<16xi1>, vector<16xf32>, vector<16xi32>)
      %rev3A_616 = arith.constant 15 : i32
      %rev3A_617 = vector.broadcast %rev3A_616 : i32 to vector<16xi32>
      %rev3A_618 = tpu.iota {dimensions = array<i32: 0>} : vector<16xi32>
      %rev3A_619 = arith.subi %rev3A_617, %rev3A_618 : vector<16xi32>
      %rev3A_620 = tpu.dynamic_gather %sort3A_581[%rev3A_619] in [0] : vector<16xf32>, vector<16xi32> -> vector<16xf32>
      %rev3A_621 = arith.constant 15 : i32
      %rev3A_622 = vector.broadcast %rev3A_621 : i32 to vector<16xi32>
      %rev3A_623 = tpu.iota {dimensions = array<i32: 0>} : vector<16xi32>
      %rev3A_624 = arith.subi %rev3A_622, %rev3A_623 : vector<16xi32>
      %rev3A_625 = tpu.dynamic_gather %sort3A_582[%rev3A_624] in [0] : vector<16xi32>, vector<16xi32> -> vector<16xi32>
      %lt3A_626 = arith.cmpf olt, %sort3A_614, %rev3A_620 : vector<16xf32>
      %eq3A_627 = arith.cmpf oeq, %sort3A_614, %rev3A_620 : vector<16xf32>
      %select_n3A_628 = arith.select %lt3A_626, %sort3A_614, %rev3A_620 : vector<16xi1>, vector<16xf32>
      %min3A_629 = arith.minsi %sort3A_615, %rev3A_625 : vector<16xi32>
      %select_n3A_630 = arith.select %eq3A_627, %min3A_629, %rev3A_625 : vector<16xi1>, vector<16xi32>
      %select_n3A_631 = arith.select %lt3A_626, %sort3A_615, %select_n3A_630 : vector<16xi1>, vector<16xi32>
      %sort3A_632 = arith.constant dense<true> : vector<16xi1>
      %sort3A_633, %sort3A_634, %sort3A_635 = tpu.sort %select_n3A_628, %select_n3A_631 masked %sort3A_632 : (vector<16xf32>, vector<16xi32>, vector<16xi1>) -> (vector<16xi1>, vector<16xf32>, vector<16xi32>)
      %get3A_636 = arith.constant 0 : i32
      %get3A_637 = arith.index_cast %get3A_636 : i32 to index
      %get3A_638 = arith.constant 160 : index
      %get3A_639 = tpu.vector_load %arg4[%get3A_637, %get3A_638] {strides = array<i32>} : memref<3x256xf32, #tpu.memory_space<vmem>>, vector<16xf32>,
      %sub3A_640 = arith.subf %get3A_639, %gather3A_90 : vector<16xf32>
      %get3A_641 = arith.constant 1 : i32
      %get3A_642 = arith.index_cast %get3A_641 : i32 to index
      %get3A_643 = arith.constant 160 : index
      %get3A_644 = tpu.vector_load %arg4[%get3A_642, %get3A_643] {strides = array<i32>} : memref<3x256xf32, #tpu.memory_space<vmem>>, vector<16xf32>,
      %sub3A_645 = arith.subf %get3A_644, %gather3A_97 : vector<16xf32>
      %get3A_646 = arith.constant 2 : i32
      %get3A_647 = arith.index_cast %get3A_646 : i32 to index
      %get3A_648 = arith.constant 160 : index
      %get3A_649 = tpu.vector_load %arg4[%get3A_647, %get3A_648] {strides = array<i32>} : memref<3x256xf32, #tpu.memory_space<vmem>>, vector<16xf32>,
      %sub3A_650 = arith.subf %get3A_649, %gather3A_104 : vector<16xf32>
      %mul3A_651 = arith.mulf %sub3A_640, %sub3A_640 : vector<16xf32>
      %mul3A_652 = arith.mulf %sub3A_645, %sub3A_645 : vector<16xf32>
      %add3A_653 = arith.addf %mul3A_651, %mul3A_652 : vector<16xf32>
      %mul3A_654 = arith.mulf %sub3A_650, %sub3A_650 : vector<16xf32>
      %add3A_655 = arith.addf %add3A_653, %mul3A_654 : vector<16xf32>
      %add3A_656 = arith.constant 160 : i32
      %add3A_657 = vector.broadcast %add3A_656 : i32 to vector<16xi32>
      %add3A_658 = arith.addi %iota3A, %add3A_657 : vector<16xi32>
      %eq3A_659 = vector.broadcast %add3A_43 : i32 to vector<16xi32>
      %eq3A_660 = arith.cmpi eq, %add3A_658, %eq3A_659 : vector<16xi32>
      %add3A_661 = arith.constant 1.000000e+10 : f32
      %add3A_662 = vector.broadcast %add3A_661 : f32 to vector<16xf32>
      %add3A_663 = arith.addf %add3A_655, %add3A_662 : vector<16xf32>
      %select_n3A_664 = arith.select %eq3A_660, %add3A_663, %add3A_655 : vector<16xi1>, vector<16xf32>
      %sort3A_665 = arith.constant dense<true> : vector<16xi1>
      %sort3A_666, %sort3A_667, %sort3A_668 = tpu.sort %select_n3A_664, %add3A_658 masked %sort3A_665 : (vector<16xf32>, vector<16xi32>, vector<16xi1>) -> (vector<16xi1>, vector<16xf32>, vector<16xi32>)
      %rev3A_669 = arith.constant 15 : i32
      %rev3A_670 = vector.broadcast %rev3A_669 : i32 to vector<16xi32>
      %rev3A_671 = tpu.iota {dimensions = array<i32: 0>} : vector<16xi32>
      %rev3A_672 = arith.subi %rev3A_670, %rev3A_671 : vector<16xi32>
      %rev3A_673 = tpu.dynamic_gather %sort3A_634[%rev3A_672] in [0] : vector<16xf32>, vector<16xi32> -> vector<16xf32>
      %rev3A_674 = arith.constant 15 : i32
      %rev3A_675 = vector.broadcast %rev3A_674 : i32 to vector<16xi32>
      %rev3A_676 = tpu.iota {dimensions = array<i32: 0>} : vector<16xi32>
      %rev3A_677 = arith.subi %rev3A_675, %rev3A_676 : vector<16xi32>
      %rev3A_678 = tpu.dynamic_gather %sort3A_635[%rev3A_677] in [0] : vector<16xi32>, vector<16xi32> -> vector<16xi32>
      %lt3A_679 = arith.cmpf olt, %sort3A_667, %rev3A_673 : vector<16xf32>
      %eq3A_680 = arith.cmpf oeq, %sort3A_667, %rev3A_673 : vector<16xf32>
      %select_n3A_681 = arith.select %lt3A_679, %sort3A_667, %rev3A_673 : vector<16xi1>, vector<16xf32>
      %min3A_682 = arith.minsi %sort3A_668, %rev3A_678 : vector<16xi32>
      %select_n3A_683 = arith.select %eq3A_680, %min3A_682, %rev3A_678 : vector<16xi1>, vector<16xi32>
      %select_n3A_684 = arith.select %lt3A_679, %sort3A_668, %select_n3A_683 : vector<16xi1>, vector<16xi32>
      %sort3A_685 = arith.constant dense<true> : vector<16xi1>
      %sort3A_686, %sort3A_687, %sort3A_688 = tpu.sort %select_n3A_681, %select_n3A_684 masked %sort3A_685 : (vector<16xf32>, vector<16xi32>, vector<16xi1>) -> (vector<16xi1>, vector<16xf32>, vector<16xi32>)
      %get3A_689 = arith.constant 0 : i32
      %get3A_690 = arith.index_cast %get3A_689 : i32 to index
      %get3A_691 = arith.constant 176 : index
      %get3A_692 = tpu.vector_load %arg4[%get3A_690, %get3A_691] {strides = array<i32>} : memref<3x256xf32, #tpu.memory_space<vmem>>, vector<16xf32>,
      %sub3A_693 = arith.subf %get3A_692, %gather3A_90 : vector<16xf32>
      %get3A_694 = arith.constant 1 : i32
      %get3A_695 = arith.index_cast %get3A_694 : i32 to index
      %get3A_696 = arith.constant 176 : index
      %get3A_697 = tpu.vector_load %arg4[%get3A_695, %get3A_696] {strides = array<i32>} : memref<3x256xf32, #tpu.memory_space<vmem>>, vector<16xf32>,
      %sub3A_698 = arith.subf %get3A_697, %gather3A_97 : vector<16xf32>
      %get3A_699 = arith.constant 2 : i32
      %get3A_700 = arith.index_cast %get3A_699 : i32 to index
      %get3A_701 = arith.constant 176 : index
      %get3A_702 = tpu.vector_load %arg4[%get3A_700, %get3A_701] {strides = array<i32>} : memref<3x256xf32, #tpu.memory_space<vmem>>, vector<16xf32>,
      %sub3A_703 = arith.subf %get3A_702, %gather3A_104 : vector<16xf32>
      %mul3A_704 = arith.mulf %sub3A_693, %sub3A_693 : vector<16xf32>
      %mul3A_705 = arith.mulf %sub3A_698, %sub3A_698 : vector<16xf32>
      %add3A_706 = arith.addf %mul3A_704, %mul3A_705 : vector<16xf32>
      %mul3A_707 = arith.mulf %sub3A_703, %sub3A_703 : vector<16xf32>
      %add3A_708 = arith.addf %add3A_706, %mul3A_707 : vector<16xf32>
      %add3A_709 = arith.constant 176 : i32
      %add3A_710 = vector.broadcast %add3A_709 : i32 to vector<16xi32>
      %add3A_711 = arith.addi %iota3A, %add3A_710 : vector<16xi32>
      %eq3A_712 = vector.broadcast %add3A_43 : i32 to vector<16xi32>
      %eq3A_713 = arith.cmpi eq, %add3A_711, %eq3A_712 : vector<16xi32>
      %add3A_714 = arith.constant 1.000000e+10 : f32
      %add3A_715 = vector.broadcast %add3A_714 : f32 to vector<16xf32>
      %add3A_716 = arith.addf %add3A_708, %add3A_715 : vector<16xf32>
      %select_n3A_717 = arith.select %eq3A_713, %add3A_716, %add3A_708 : vector<16xi1>, vector<16xf32>
      %sort3A_718 = arith.constant dense<true> : vector<16xi1>
      %sort3A_719, %sort3A_720, %sort3A_721 = tpu.sort %select_n3A_717, %add3A_711 masked %sort3A_718 : (vector<16xf32>, vector<16xi32>, vector<16xi1>) -> (vector<16xi1>, vector<16xf32>, vector<16xi32>)
      %rev3A_722 = arith.constant 15 : i32
      %rev3A_723 = vector.broadcast %rev3A_722 : i32 to vector<16xi32>
      %rev3A_724 = tpu.iota {dimensions = array<i32: 0>} : vector<16xi32>
      %rev3A_725 = arith.subi %rev3A_723, %rev3A_724 : vector<16xi32>
      %rev3A_726 = tpu.dynamic_gather %sort3A_687[%rev3A_725] in [0] : vector<16xf32>, vector<16xi32> -> vector<16xf32>
      %rev3A_727 = arith.constant 15 : i32
      %rev3A_728 = vector.broadcast %rev3A_727 : i32 to vector<16xi32>
      %rev3A_729 = tpu.iota {dimensions = array<i32: 0>} : vector<16xi32>
      %rev3A_730 = arith.subi %rev3A_728, %rev3A_729 : vector<16xi32>
      %rev3A_731 = tpu.dynamic_gather %sort3A_688[%rev3A_730] in [0] : vector<16xi32>, vector<16xi32> -> vector<16xi32>
      %lt3A_732 = arith.cmpf olt, %sort3A_720, %rev3A_726 : vector<16xf32>
      %eq3A_733 = arith.cmpf oeq, %sort3A_720, %rev3A_726 : vector<16xf32>
      %select_n3A_734 = arith.select %lt3A_732, %sort3A_720, %rev3A_726 : vector<16xi1>, vector<16xf32>
      %min3A_735 = arith.minsi %sort3A_721, %rev3A_731 : vector<16xi32>
      %select_n3A_736 = arith.select %eq3A_733, %min3A_735, %rev3A_731 : vector<16xi1>, vector<16xi32>
      %select_n3A_737 = arith.select %lt3A_732, %sort3A_721, %select_n3A_736 : vector<16xi1>, vector<16xi32>
      %sort3A_738 = arith.constant dense<true> : vector<16xi1>
      %sort3A_739, %sort3A_740, %sort3A_741 = tpu.sort %select_n3A_734, %select_n3A_737 masked %sort3A_738 : (vector<16xf32>, vector<16xi32>, vector<16xi1>) -> (vector<16xi1>, vector<16xf32>, vector<16xi32>)
      %get3A_742 = arith.constant 0 : i32
      %get3A_743 = arith.index_cast %get3A_742 : i32 to index
      %get3A_744 = arith.constant 192 : index
      %get3A_745 = tpu.vector_load %arg4[%get3A_743, %get3A_744] {strides = array<i32>} : memref<3x256xf32, #tpu.memory_space<vmem>>, vector<16xf32>,
      %sub3A_746 = arith.subf %get3A_745, %gather3A_90 : vector<16xf32>
      %get3A_747 = arith.constant 1 : i32
      %get3A_748 = arith.index_cast %get3A_747 : i32 to index
      %get3A_749 = arith.constant 192 : index
      %get3A_750 = tpu.vector_load %arg4[%get3A_748, %get3A_749] {strides = array<i32>} : memref<3x256xf32, #tpu.memory_space<vmem>>, vector<16xf32>,
      %sub3A_751 = arith.subf %get3A_750, %gather3A_97 : vector<16xf32>
      %get3A_752 = arith.constant 2 : i32
      %get3A_753 = arith.index_cast %get3A_752 : i32 to index
      %get3A_754 = arith.constant 192 : index
      %get3A_755 = tpu.vector_load %arg4[%get3A_753, %get3A_754] {strides = array<i32>} : memref<3x256xf32, #tpu.memory_space<vmem>>, vector<16xf32>,
      %sub3A_756 = arith.subf %get3A_755, %gather3A_104 : vector<16xf32>
      %mul3A_757 = arith.mulf %sub3A_746, %sub3A_746 : vector<16xf32>
      %mul3A_758 = arith.mulf %sub3A_751, %sub3A_751 : vector<16xf32>
      %add3A_759 = arith.addf %mul3A_757, %mul3A_758 : vector<16xf32>
      %mul3A_760 = arith.mulf %sub3A_756, %sub3A_756 : vector<16xf32>
      %add3A_761 = arith.addf %add3A_759, %mul3A_760 : vector<16xf32>
      %add3A_762 = arith.constant 192 : i32
      %add3A_763 = vector.broadcast %add3A_762 : i32 to vector<16xi32>
      %add3A_764 = arith.addi %iota3A, %add3A_763 : vector<16xi32>
      %eq3A_765 = vector.broadcast %add3A_43 : i32 to vector<16xi32>
      %eq3A_766 = arith.cmpi eq, %add3A_764, %eq3A_765 : vector<16xi32>
      %add3A_767 = arith.constant 1.000000e+10 : f32
      %add3A_768 = vector.broadcast %add3A_767 : f32 to vector<16xf32>
      %add3A_769 = arith.addf %add3A_761, %add3A_768 : vector<16xf32>
      %select_n3A_770 = arith.select %eq3A_766, %add3A_769, %add3A_761 : vector<16xi1>, vector<16xf32>
      %sort3A_771 = arith.constant dense<true> : vector<16xi1>
      %sort3A_772, %sort3A_773, %sort3A_774 = tpu.sort %select_n3A_770, %add3A_764 masked %sort3A_771 : (vector<16xf32>, vector<16xi32>, vector<16xi1>) -> (vector<16xi1>, vector<16xf32>, vector<16xi32>)
      %rev3A_775 = arith.constant 15 : i32
      %rev3A_776 = vector.broadcast %rev3A_775 : i32 to vector<16xi32>
      %rev3A_777 = tpu.iota {dimensions = array<i32: 0>} : vector<16xi32>
      %rev3A_778 = arith.subi %rev3A_776, %rev3A_777 : vector<16xi32>
      %rev3A_779 = tpu.dynamic_gather %sort3A_740[%rev3A_778] in [0] : vector<16xf32>, vector<16xi32> -> vector<16xf32>
      %rev3A_780 = arith.constant 15 : i32
      %rev3A_781 = vector.broadcast %rev3A_780 : i32 to vector<16xi32>
      %rev3A_782 = tpu.iota {dimensions = array<i32: 0>} : vector<16xi32>
      %rev3A_783 = arith.subi %rev3A_781, %rev3A_782 : vector<16xi32>
      %rev3A_784 = tpu.dynamic_gather %sort3A_741[%rev3A_783] in [0] : vector<16xi32>, vector<16xi32> -> vector<16xi32>
      %lt3A_785 = arith.cmpf olt, %sort3A_773, %rev3A_779 : vector<16xf32>
      %eq3A_786 = arith.cmpf oeq, %sort3A_773, %rev3A_779 : vector<16xf32>
      %select_n3A_787 = arith.select %lt3A_785, %sort3A_773, %rev3A_779 : vector<16xi1>, vector<16xf32>
      %min3A_788 = arith.minsi %sort3A_774, %rev3A_784 : vector<16xi32>
      %select_n3A_789 = arith.select %eq3A_786, %min3A_788, %rev3A_784 : vector<16xi1>, vector<16xi32>
      %select_n3A_790 = arith.select %lt3A_785, %sort3A_774, %select_n3A_789 : vector<16xi1>, vector<16xi32>
      %sort3A_791 = arith.constant dense<true> : vector<16xi1>
      %sort3A_792, %sort3A_793, %sort3A_794 = tpu.sort %select_n3A_787, %select_n3A_790 masked %sort3A_791 : (vector<16xf32>, vector<16xi32>, vector<16xi1>) -> (vector<16xi1>, vector<16xf32>, vector<16xi32>)
      %get3A_795 = arith.constant 0 : i32
      %get3A_796 = arith.index_cast %get3A_795 : i32 to index
      %get3A_797 = arith.constant 208 : index
      %get3A_798 = tpu.vector_load %arg4[%get3A_796, %get3A_797] {strides = array<i32>} : memref<3x256xf32, #tpu.memory_space<vmem>>, vector<16xf32>,
      %sub3A_799 = arith.subf %get3A_798, %gather3A_90 : vector<16xf32>
      %get3A_800 = arith.constant 1 : i32
      %get3A_801 = arith.index_cast %get3A_800 : i32 to index
      %get3A_802 = arith.constant 208 : index
      %get3A_803 = tpu.vector_load %arg4[%get3A_801, %get3A_802] {strides = array<i32>} : memref<3x256xf32, #tpu.memory_space<vmem>>, vector<16xf32>,
      %sub3A_804 = arith.subf %get3A_803, %gather3A_97 : vector<16xf32>
      %get3A_805 = arith.constant 2 : i32
      %get3A_806 = arith.index_cast %get3A_805 : i32 to index
      %get3A_807 = arith.constant 208 : index
      %get3A_808 = tpu.vector_load %arg4[%get3A_806, %get3A_807] {strides = array<i32>} : memref<3x256xf32, #tpu.memory_space<vmem>>, vector<16xf32>,
      %sub3A_809 = arith.subf %get3A_808, %gather3A_104 : vector<16xf32>
      %mul3A_810 = arith.mulf %sub3A_799, %sub3A_799 : vector<16xf32>
      %mul3A_811 = arith.mulf %sub3A_804, %sub3A_804 : vector<16xf32>
      %add3A_812 = arith.addf %mul3A_810, %mul3A_811 : vector<16xf32>
      %mul3A_813 = arith.mulf %sub3A_809, %sub3A_809 : vector<16xf32>
      %add3A_814 = arith.addf %add3A_812, %mul3A_813 : vector<16xf32>
      %add3A_815 = arith.constant 208 : i32
      %add3A_816 = vector.broadcast %add3A_815 : i32 to vector<16xi32>
      %add3A_817 = arith.addi %iota3A, %add3A_816 : vector<16xi32>
      %eq3A_818 = vector.broadcast %add3A_43 : i32 to vector<16xi32>
      %eq3A_819 = arith.cmpi eq, %add3A_817, %eq3A_818 : vector<16xi32>
      %add3A_820 = arith.constant 1.000000e+10 : f32
      %add3A_821 = vector.broadcast %add3A_820 : f32 to vector<16xf32>
      %add3A_822 = arith.addf %add3A_814, %add3A_821 : vector<16xf32>
      %select_n3A_823 = arith.select %eq3A_819, %add3A_822, %add3A_814 : vector<16xi1>, vector<16xf32>
      %sort3A_824 = arith.constant dense<true> : vector<16xi1>
      %sort3A_825, %sort3A_826, %sort3A_827 = tpu.sort %select_n3A_823, %add3A_817 masked %sort3A_824 : (vector<16xf32>, vector<16xi32>, vector<16xi1>) -> (vector<16xi1>, vector<16xf32>, vector<16xi32>)
      %rev3A_828 = arith.constant 15 : i32
      %rev3A_829 = vector.broadcast %rev3A_828 : i32 to vector<16xi32>
      %rev3A_830 = tpu.iota {dimensions = array<i32: 0>} : vector<16xi32>
      %rev3A_831 = arith.subi %rev3A_829, %rev3A_830 : vector<16xi32>
      %rev3A_832 = tpu.dynamic_gather %sort3A_793[%rev3A_831] in [0] : vector<16xf32>, vector<16xi32> -> vector<16xf32>
      %rev3A_833 = arith.constant 15 : i32
      %rev3A_834 = vector.broadcast %rev3A_833 : i32 to vector<16xi32>
      %rev3A_835 = tpu.iota {dimensions = array<i32: 0>} : vector<16xi32>
      %rev3A_836 = arith.subi %rev3A_834, %rev3A_835 : vector<16xi32>
      %rev3A_837 = tpu.dynamic_gather %sort3A_794[%rev3A_836] in [0] : vector<16xi32>, vector<16xi32> -> vector<16xi32>
      %lt3A_838 = arith.cmpf olt, %sort3A_826, %rev3A_832 : vector<16xf32>
      %eq3A_839 = arith.cmpf oeq, %sort3A_826, %rev3A_832 : vector<16xf32>
      %select_n3A_840 = arith.select %lt3A_838, %sort3A_826, %rev3A_832 : vector<16xi1>, vector<16xf32>
      %min3A_841 = arith.minsi %sort3A_827, %rev3A_837 : vector<16xi32>
      %select_n3A_842 = arith.select %eq3A_839, %min3A_841, %rev3A_837 : vector<16xi1>, vector<16xi32>
      %select_n3A_843 = arith.select %lt3A_838, %sort3A_827, %select_n3A_842 : vector<16xi1>, vector<16xi32>
      %sort3A_844 = arith.constant dense<true> : vector<16xi1>
      %sort3A_845, %sort3A_846, %sort3A_847 = tpu.sort %select_n3A_840, %select_n3A_843 masked %sort3A_844 : (vector<16xf32>, vector<16xi32>, vector<16xi1>) -> (vector<16xi1>, vector<16xf32>, vector<16xi32>)
      %get3A_848 = arith.constant 0 : i32
      %get3A_849 = arith.index_cast %get3A_848 : i32 to index
      %get3A_850 = arith.constant 224 : index
      %get3A_851 = tpu.vector_load %arg4[%get3A_849, %get3A_850] {strides = array<i32>} : memref<3x256xf32, #tpu.memory_space<vmem>>, vector<16xf32>,
      %sub3A_852 = arith.subf %get3A_851, %gather3A_90 : vector<16xf32>
      %get3A_853 = arith.constant 1 : i32
      %get3A_854 = arith.index_cast %get3A_853 : i32 to index
      %get3A_855 = arith.constant 224 : index
      %get3A_856 = tpu.vector_load %arg4[%get3A_854, %get3A_855] {strides = array<i32>} : memref<3x256xf32, #tpu.memory_space<vmem>>, vector<16xf32>,
      %sub3A_857 = arith.subf %get3A_856, %gather3A_97 : vector<16xf32>
      %get3A_858 = arith.constant 2 : i32
      %get3A_859 = arith.index_cast %get3A_858 : i32 to index
      %get3A_860 = arith.constant 224 : index
      %get3A_861 = tpu.vector_load %arg4[%get3A_859, %get3A_860] {strides = array<i32>} : memref<3x256xf32, #tpu.memory_space<vmem>>, vector<16xf32>,
      %sub3A_862 = arith.subf %get3A_861, %gather3A_104 : vector<16xf32>
      %mul3A_863 = arith.mulf %sub3A_852, %sub3A_852 : vector<16xf32>
      %mul3A_864 = arith.mulf %sub3A_857, %sub3A_857 : vector<16xf32>
      %add3A_865 = arith.addf %mul3A_863, %mul3A_864 : vector<16xf32>
      %mul3A_866 = arith.mulf %sub3A_862, %sub3A_862 : vector<16xf32>
      %add3A_867 = arith.addf %add3A_865, %mul3A_866 : vector<16xf32>
      %add3A_868 = arith.constant 224 : i32
      %add3A_869 = vector.broadcast %add3A_868 : i32 to vector<16xi32>
      %add3A_870 = arith.addi %iota3A, %add3A_869 : vector<16xi32>
      %eq3A_871 = vector.broadcast %add3A_43 : i32 to vector<16xi32>
      %eq3A_872 = arith.cmpi eq, %add3A_870, %eq3A_871 : vector<16xi32>
      %add3A_873 = arith.constant 1.000000e+10 : f32
      %add3A_874 = vector.broadcast %add3A_873 : f32 to vector<16xf32>
      %add3A_875 = arith.addf %add3A_867, %add3A_874 : vector<16xf32>
      %select_n3A_876 = arith.select %eq3A_872, %add3A_875, %add3A_867 : vector<16xi1>, vector<16xf32>
      %sort3A_877 = arith.constant dense<true> : vector<16xi1>
      %sort3A_878, %sort3A_879, %sort3A_880 = tpu.sort %select_n3A_876, %add3A_870 masked %sort3A_877 : (vector<16xf32>, vector<16xi32>, vector<16xi1>) -> (vector<16xi1>, vector<16xf32>, vector<16xi32>)
      %rev3A_881 = arith.constant 15 : i32
      %rev3A_882 = vector.broadcast %rev3A_881 : i32 to vector<16xi32>
      %rev3A_883 = tpu.iota {dimensions = array<i32: 0>} : vector<16xi32>
      %rev3A_884 = arith.subi %rev3A_882, %rev3A_883 : vector<16xi32>
      %rev3A_885 = tpu.dynamic_gather %sort3A_846[%rev3A_884] in [0] : vector<16xf32>, vector<16xi32> -> vector<16xf32>
      %rev3A_886 = arith.constant 15 : i32
      %rev3A_887 = vector.broadcast %rev3A_886 : i32 to vector<16xi32>
      %rev3A_888 = tpu.iota {dimensions = array<i32: 0>} : vector<16xi32>
      %rev3A_889 = arith.subi %rev3A_887, %rev3A_888 : vector<16xi32>
      %rev3A_890 = tpu.dynamic_gather %sort3A_847[%rev3A_889] in [0] : vector<16xi32>, vector<16xi32> -> vector<16xi32>
      %lt3A_891 = arith.cmpf olt, %sort3A_879, %rev3A_885 : vector<16xf32>
      %eq3A_892 = arith.cmpf oeq, %sort3A_879, %rev3A_885 : vector<16xf32>
      %select_n3A_893 = arith.select %lt3A_891, %sort3A_879, %rev3A_885 : vector<16xi1>, vector<16xf32>
      %min3A_894 = arith.minsi %sort3A_880, %rev3A_890 : vector<16xi32>
      %select_n3A_895 = arith.select %eq3A_892, %min3A_894, %rev3A_890 : vector<16xi1>, vector<16xi32>
      %select_n3A_896 = arith.select %lt3A_891, %sort3A_880, %select_n3A_895 : vector<16xi1>, vector<16xi32>
      %sort3A_897 = arith.constant dense<true> : vector<16xi1>
      %sort3A_898, %sort3A_899, %sort3A_900 = tpu.sort %select_n3A_893, %select_n3A_896 masked %sort3A_897 : (vector<16xf32>, vector<16xi32>, vector<16xi1>) -> (vector<16xi1>, vector<16xf32>, vector<16xi32>)
      %get3A_901 = arith.constant 0 : i32
      %get3A_902 = arith.index_cast %get3A_901 : i32 to index
      %get3A_903 = arith.constant 240 : index
      %get3A_904 = tpu.vector_load %arg4[%get3A_902, %get3A_903] {strides = array<i32>} : memref<3x256xf32, #tpu.memory_space<vmem>>, vector<16xf32>,
      %sub3A_905 = arith.subf %get3A_904, %gather3A_90 : vector<16xf32>
      %get3A_906 = arith.constant 1 : i32
      %get3A_907 = arith.index_cast %get3A_906 : i32 to index
      %get3A_908 = arith.constant 240 : index
      %get3A_909 = tpu.vector_load %arg4[%get3A_907, %get3A_908] {strides = array<i32>} : memref<3x256xf32, #tpu.memory_space<vmem>>, vector<16xf32>,
      %sub3A_910 = arith.subf %get3A_909, %gather3A_97 : vector<16xf32>
      %get3A_911 = arith.constant 2 : i32
      %get3A_912 = arith.index_cast %get3A_911 : i32 to index
      %get3A_913 = arith.constant 240 : index
      %get3A_914 = tpu.vector_load %arg4[%get3A_912, %get3A_913] {strides = array<i32>} : memref<3x256xf32, #tpu.memory_space<vmem>>, vector<16xf32>,
      %sub3A_915 = arith.subf %get3A_914, %gather3A_104 : vector<16xf32>
      %mul3A_916 = arith.mulf %sub3A_905, %sub3A_905 : vector<16xf32>
      %mul3A_917 = arith.mulf %sub3A_910, %sub3A_910 : vector<16xf32>
      %add3A_918 = arith.addf %mul3A_916, %mul3A_917 : vector<16xf32>
      %mul3A_919 = arith.mulf %sub3A_915, %sub3A_915 : vector<16xf32>
      %add3A_920 = arith.addf %add3A_918, %mul3A_919 : vector<16xf32>
      %add3A_921 = arith.constant 240 : i32
      %add3A_922 = vector.broadcast %add3A_921 : i32 to vector<16xi32>
      %add3A_923 = arith.addi %iota3A, %add3A_922 : vector<16xi32>
      %eq3A_924 = vector.broadcast %add3A_43 : i32 to vector<16xi32>
      %eq3A_925 = arith.cmpi eq, %add3A_923, %eq3A_924 : vector<16xi32>
      %add3A_926 = arith.constant 1.000000e+10 : f32
      %add3A_927 = vector.broadcast %add3A_926 : f32 to vector<16xf32>
      %add3A_928 = arith.addf %add3A_920, %add3A_927 : vector<16xf32>
      %select_n3A_929 = arith.select %eq3A_925, %add3A_928, %add3A_920 : vector<16xi1>, vector<16xf32>
      %sort3A_930 = arith.constant dense<true> : vector<16xi1>
      %sort3A_931, %sort3A_932, %sort3A_933 = tpu.sort %select_n3A_929, %add3A_923 masked %sort3A_930 : (vector<16xf32>, vector<16xi32>, vector<16xi1>) -> (vector<16xi1>, vector<16xf32>, vector<16xi32>)
      %rev3A_934 = arith.constant 15 : i32
      %rev3A_935 = vector.broadcast %rev3A_934 : i32 to vector<16xi32>
      %rev3A_936 = tpu.iota {dimensions = array<i32: 0>} : vector<16xi32>
      %rev3A_937 = arith.subi %rev3A_935, %rev3A_936 : vector<16xi32>
      %rev3A_938 = tpu.dynamic_gather %sort3A_899[%rev3A_937] in [0] : vector<16xf32>, vector<16xi32> -> vector<16xf32>
      %rev3A_939 = arith.constant 15 : i32
      %rev3A_940 = vector.broadcast %rev3A_939 : i32 to vector<16xi32>
      %rev3A_941 = tpu.iota {dimensions = array<i32: 0>} : vector<16xi32>
      %rev3A_942 = arith.subi %rev3A_940, %rev3A_941 : vector<16xi32>
      %rev3A_943 = tpu.dynamic_gather %sort3A_900[%rev3A_942] in [0] : vector<16xi32>, vector<16xi32> -> vector<16xi32>
      %lt3A_944 = arith.cmpf olt, %sort3A_932, %rev3A_938 : vector<16xf32>
      %eq3A_945 = arith.cmpf oeq, %sort3A_932, %rev3A_938 : vector<16xf32>
      %select_n3A_946 = arith.select %lt3A_944, %sort3A_932, %rev3A_938 : vector<16xi1>, vector<16xf32>
      %min3A_947 = arith.minsi %sort3A_933, %rev3A_943 : vector<16xi32>
      %select_n3A_948 = arith.select %eq3A_945, %min3A_947, %rev3A_943 : vector<16xi1>, vector<16xi32>
      %select_n3A_949 = arith.select %lt3A_944, %sort3A_933, %select_n3A_948 : vector<16xi1>, vector<16xi32>
      %sort3A_950 = arith.constant dense<true> : vector<16xi1>
      %sort3A_951, %sort3A_952, %sort3A_953 = tpu.sort %select_n3A_946, %select_n3A_949 masked %sort3A_950 : (vector<16xf32>, vector<16xi32>, vector<16xi1>) -> (vector<16xi1>, vector<16xf32>, vector<16xi32>)
      %mul3A_954 = arith.constant 16 : i32
      %mul3A_955 = arith.muli %scan3A_42, %mul3A_954 : i32
      %swap3A = arith.index_cast %mul3A_955 : i32 to index
      %swap3A_956 = tpu.vector_load %arg5[%swap3A] {strides = array<i32>} : memref<1024xi32, #tpu.memory_space<vmem>>, vector<16xi32>,
      tpu.vector_store %arg5[%swap3A], %sort3A_953 {strides = array<i32>} : memref<1024xi32, #tpu.memory_space<vmem>>, vector<16xi32>,
    }
    %scan3A_37 = arith.constant 64 : i32
    %mul3A_38 = arith.constant 64 : i32
    %mul3A_39 = arith.muli %add3A, %mul3A_38 : i32
    %mul3A_40 = arith.constant 16 : i32
    %mul3A_41 = arith.muli %mul3A_39, %mul3A_40 : i32
    "tpu.region"() ({
      %run_scoped3A = tpu.sem_alloc : memref<!tpu.dma_semaphore, #tpu.memory_space<semaphore_mem>>
      %dma_start3A = tpu.memref_slice %arg3[%mul3A_41] : memref<32768xi32, #tpu.memory_space<hbm>> -> memref<1024xi32, #tpu.memory_space<hbm>>
      %dma_start3A_42 = tpu.memref_slice %arg3[%mul3A_41] : memref<32768xi32, #tpu.memory_space<hbm>> -> memref<1024xi32, #tpu.memory_space<hbm>>
      tpu.enqueue_dma source(%arg5 : memref<1024xi32, #tpu.memory_space<vmem>>) target(%dma_start3A_42 : memref<1024xi32, #tpu.memory_space<hbm>>) target_semaphore(%run_scoped3A : memref<!tpu.dma_semaphore, #tpu.memory_space<semaphore_mem>>)
      %dma_wait3A = tpu.memref_slice %arg3[%mul3A_41] : memref<32768xi32, #tpu.memory_space<hbm>> -> memref<1024xi32, #tpu.memory_space<hbm>>
      %dma_wait3A_43 = tpu.memref_slice %arg3[%mul3A_41] : memref<32768xi32, #tpu.memory_space<hbm>> -> memref<1024xi32, #tpu.memory_space<hbm>>
      tpu.wait_dma2 semaphore(%run_scoped3A : memref<!tpu.dma_semaphore, #tpu.memory_space<semaphore_mem>>) src(%arg5 : memref<1024xi32, #tpu.memory_space<vmem>>) dst(%dma_wait3A_43 : memref<1024xi32, #tpu.memory_space<hbm>>)
      tpu.yield
    }) : () -> ()
    return
  }
}

module attributes {stable_mosaic.version = 14 : i64} {
  func.func @_tc_kernel(%arg0: i32, %arg1: memref<1x256x256xf32, #tpu.memory_space<vmem>>, %arg2: memref<1x256x1xf32, #tpu.memory_space<vmem>>, %arg3: memref<1x256x16xi32, #tpu.memory_space<vmem>>, %arg4: memref<256x256xf32, #tpu.memory_space<vmem>>, %arg5: memref<256x256xf32, #tpu.memory_space<vmem>>, %arg6: memref<1x256xf32, #tpu.memory_space<vmem>>, %arg7: memref<256x256xf32, #tpu.memory_space<vmem>>, %arg8: memref<1x256xf32, #tpu.memory_space<vmem>>, %arg9: memref<256x256xf32, #tpu.memory_space<vmem>>, %arg10: memref<256x256xf32, #tpu.memory_space<vmem>>, %arg11: memref<1x256xf32, #tpu.memory_space<vmem>>, %arg12: memref<256x256xf32, #tpu.memory_space<vmem>>, %arg13: memref<1x256xf32, #tpu.memory_space<vmem>>, %arg14: memref<1x256x256xf32, #tpu.memory_space<vmem>>) attributes {dimension_semantics = [#tpu.dimension_semantics<arbitrary>], iteration_bounds = array<i64: 8>, scalar_prefetch = 0 : i64, scratch_operands = 0 : i64, tpu.core_type = #tpu.core_type<tc>, window_params = [{transform_indices = @transform_0, window_bounds = array<i64: 1, 256, 256>}, {transform_indices = @transform_1, window_bounds = array<i64: 1, 256, 1>}, {transform_indices = @transform_2, window_bounds = array<i64: 1, 256, 16>}, {pipeline_mode = #tpu.pipeline_mode<synchronous>, transform_indices = @transform_3, window_bounds = array<i64: 256, 256>}, {pipeline_mode = #tpu.pipeline_mode<synchronous>, transform_indices = @transform_4, window_bounds = array<i64: 256, 256>}, {pipeline_mode = #tpu.pipeline_mode<synchronous>, transform_indices = @transform_5, window_bounds = array<i64: 1, 256>}, {pipeline_mode = #tpu.pipeline_mode<synchronous>, transform_indices = @transform_6, window_bounds = array<i64: 256, 256>}, {pipeline_mode = #tpu.pipeline_mode<synchronous>, transform_indices = @transform_7, window_bounds = array<i64: 1, 256>}, {pipeline_mode = #tpu.pipeline_mode<synchronous>, transform_indices = @transform_8, window_bounds = array<i64: 256, 256>}, {pipeline_mode = #tpu.pipeline_mode<synchronous>, transform_indices = @transform_9, window_bounds = array<i64: 256, 256>}, {pipeline_mode = #tpu.pipeline_mode<synchronous>, transform_indices = @transform_10, window_bounds = array<i64: 1, 256>}, {pipeline_mode = #tpu.pipeline_mode<synchronous>, transform_indices = @transform_11, window_bounds = array<i64: 256, 256>}, {pipeline_mode = #tpu.pipeline_mode<synchronous>, transform_indices = @transform_12, window_bounds = array<i64: 1, 256>}, {transform_indices = @transform_13, window_bounds = array<i64: 1, 256, 256>}]} {
    %iota3A = tpu.iota {dimensions = array<i32: 1>} : vector<256x256xi32>
    %get3A = arith.constant 0 : index
    %get3A_0 = arith.constant 0 : index
    %get3A_1 = arith.constant 0 : index
    %get3A_2 = vector.load %arg3[%get3A, %get3A_0, %get3A_1] : memref<1x256x16xi32, #tpu.memory_space<vmem>>, vector<1x256x16xi32>
    %get3A_3 = vector.shape_cast %get3A_2 : vector<1x256x16xi32> to vector<256x16xi32>
    %get3A_4 = arith.constant 0 : index
    %get3A_5 = arith.constant 0 : index
    %get3A_6 = arith.constant 0 : index
    %get3A_7 = vector.load %arg1[%get3A_4, %get3A_5, %get3A_6] : memref<1x256x256xf32, #tpu.memory_space<vmem>>, vector<1x256x256xf32>
    %get3A_8 = vector.shape_cast %get3A_7 : vector<1x256x256xf32> to vector<256x256xf32>
    %get3A_9 = arith.constant 0 : index
    %get3A_10 = arith.constant 0 : index
    %get3A_11 = vector.load %arg4[%get3A_9, %get3A_10] : memref<256x256xf32, #tpu.memory_space<vmem>>, vector<256x256xf32>
    %dot_general3A = arith.constant dense<0.000000e+00> : vector<256x256xf32>
    %dot_general3A_12 = tpu.matmul %get3A_8, %get3A_11, %dot_general3A {dimension_numbers = #tpu.dot_dimension_numbers<[1], [0], [0], [1], [0, 0, 1, 1], [], []>, transpose_lhs_hint = false} : vector<256x256xf32>, vector<256x256xf32>, vector<256x256xf32> -> vector<256x256xf32>
    %get3A_13 = arith.constant 0 : index
    %get3A_14 = arith.constant 0 : index
    %get3A_15 = vector.load %arg6[%get3A_13, %get3A_14] : memref<1x256xf32, #tpu.memory_space<vmem>>, vector<1x256xf32>
    %add3A = vector.broadcast %get3A_15 : vector<1x256xf32> to vector<256x256xf32>
    %add3A_16 = arith.addf %dot_general3A_12, %add3A : vector<256x256xf32>
    %get3A_17 = arith.constant 0 : index
    %get3A_18 = arith.constant 0 : index
    %get3A_19 = vector.load %arg5[%get3A_17, %get3A_18] : memref<256x256xf32, #tpu.memory_space<vmem>>, vector<256x256xf32>
    %dot_general3A_20 = arith.constant dense<0.000000e+00> : vector<256x256xf32>
    %dot_general3A_21 = tpu.matmul %get3A_8, %get3A_19, %dot_general3A_20 {dimension_numbers = #tpu.dot_dimension_numbers<[1], [0], [0], [1], [0, 0, 1, 1], [], []>, transpose_lhs_hint = false} : vector<256x256xf32>, vector<256x256xf32>, vector<256x256xf32> -> vector<256x256xf32>
    %convert_element_type3A = arith.truncf %dot_general3A_21 : vector<256x256xf32> to vector<256x256xbf16>
    %get3A_22 = arith.constant 0 : index
    %get3A_23 = arith.constant 0 : index
    %get3A_24 = vector.load %arg7[%get3A_22, %get3A_23] : memref<256x256xf32, #tpu.memory_space<vmem>>, vector<256x256xf32>
    %broadcast_in_dim3A = arith.constant 0xFF800000 : f32
    %broadcast_in_dim3A_25 = vector.broadcast %broadcast_in_dim3A : f32 to vector<256x256xf32>
    %slice3A = vector.extract_strided_slice %get3A_3 {offsets = [0, 0], sizes = [256, 1], strides = [1, 1]} : vector<256x16xi32> to vector<256x1xi32>
    %eq3A = vector.broadcast %slice3A : vector<256x1xi32> to vector<256x256xi32>
    %eq3A_26 = arith.cmpi eq, %iota3A, %eq3A : vector<256x256xi32>
    %jit3A = arith.constant 1.000000e+00 : f32
    %jit3A_27 = arith.constant 0.000000e+00 : f32
    %broadcast_in_dim3A_28 = vector.broadcast %jit3A : f32 to vector<256x256xf32>
    %broadcast_in_dim3A_29 = vector.broadcast %jit3A_27 : f32 to vector<256x256xf32>
    %select_n3A = arith.select %eq3A_26, %broadcast_in_dim3A_28, %broadcast_in_dim3A_29 : vector<256x256xi1>, vector<256x256xf32>
    %convert_element_type3A_30 = arith.truncf %select_n3A : vector<256x256xf32> to vector<256x256xbf16>
    %dot_general3A_31 = arith.constant dense<0.000000e+00> : vector<256x256xf32>
    %dot_general3A_32 = tpu.matmul %convert_element_type3A_30, %convert_element_type3A, %dot_general3A_31 {dimension_numbers = #tpu.dot_dimension_numbers<[1], [0], [0], [1], [0, 0, 1, 1], [], []>, transpose_lhs_hint = false} : vector<256x256xbf16>, vector<256x256xbf16>, vector<256x256xf32> -> vector<256x256xf32>
    %add3A_33 = arith.addf %add3A_16, %dot_general3A_32 : vector<256x256xf32>
    %max3A = arith.constant 0.000000e+00 : f32
    %max3A_34 = vector.broadcast %max3A : f32 to vector<256x256xf32>
    %max3A_35 = arith.maximumf %add3A_33, %max3A_34 : vector<256x256xf32>
    %dot_general3A_36 = arith.constant dense<0.000000e+00> : vector<256x256xf32>
    %dot_general3A_37 = tpu.matmul %max3A_35, %get3A_24, %dot_general3A_36 {dimension_numbers = #tpu.dot_dimension_numbers<[1], [0], [0], [1], [0, 0, 1, 1], [], []>, transpose_lhs_hint = false} : vector<256x256xf32>, vector<256x256xf32>, vector<256x256xf32> -> vector<256x256xf32>
    %max3A_38 = arith.maximumf %broadcast_in_dim3A_25, %dot_general3A_37 : vector<256x256xf32>
    %slice3A_39 = vector.extract_strided_slice %get3A_3 {offsets = [0, 1], sizes = [256, 1], strides = [1, 1]} : vector<256x16xi32> to vector<256x1xi32>
    %eq3A_40 = vector.broadcast %slice3A_39 : vector<256x1xi32> to vector<256x256xi32>
    %eq3A_41 = arith.cmpi eq, %iota3A, %eq3A_40 : vector<256x256xi32>
    %jit3A_42 = arith.constant 1.000000e+00 : f32
    %jit3A_43 = arith.constant 0.000000e+00 : f32
    %broadcast_in_dim3A_44 = vector.broadcast %jit3A_42 : f32 to vector<256x256xf32>
    %broadcast_in_dim3A_45 = vector.broadcast %jit3A_43 : f32 to vector<256x256xf32>
    %select_n3A_46 = arith.select %eq3A_41, %broadcast_in_dim3A_44, %broadcast_in_dim3A_45 : vector<256x256xi1>, vector<256x256xf32>
    %convert_element_type3A_47 = arith.truncf %select_n3A_46 : vector<256x256xf32> to vector<256x256xbf16>
    %dot_general3A_48 = arith.constant dense<0.000000e+00> : vector<256x256xf32>
    %dot_general3A_49 = tpu.matmul %convert_element_type3A_47, %convert_element_type3A, %dot_general3A_48 {dimension_numbers = #tpu.dot_dimension_numbers<[1], [0], [0], [1], [0, 0, 1, 1], [], []>, transpose_lhs_hint = false} : vector<256x256xbf16>, vector<256x256xbf16>, vector<256x256xf32> -> vector<256x256xf32>
    %add3A_50 = arith.addf %add3A_16, %dot_general3A_49 : vector<256x256xf32>
    %max3A_51 = arith.constant 0.000000e+00 : f32
    %max3A_52 = vector.broadcast %max3A_51 : f32 to vector<256x256xf32>
    %max3A_53 = arith.maximumf %add3A_50, %max3A_52 : vector<256x256xf32>
    %dot_general3A_54 = arith.constant dense<0.000000e+00> : vector<256x256xf32>
    %dot_general3A_55 = tpu.matmul %max3A_53, %get3A_24, %dot_general3A_54 {dimension_numbers = #tpu.dot_dimension_numbers<[1], [0], [0], [1], [0, 0, 1, 1], [], []>, transpose_lhs_hint = false} : vector<256x256xf32>, vector<256x256xf32>, vector<256x256xf32> -> vector<256x256xf32>
    %max3A_56 = arith.maximumf %max3A_38, %dot_general3A_55 : vector<256x256xf32>
    %slice3A_57 = vector.extract_strided_slice %get3A_3 {offsets = [0, 2], sizes = [256, 1], strides = [1, 1]} : vector<256x16xi32> to vector<256x1xi32>
    %eq3A_58 = vector.broadcast %slice3A_57 : vector<256x1xi32> to vector<256x256xi32>
    %eq3A_59 = arith.cmpi eq, %iota3A, %eq3A_58 : vector<256x256xi32>
    %jit3A_60 = arith.constant 1.000000e+00 : f32
    %jit3A_61 = arith.constant 0.000000e+00 : f32
    %broadcast_in_dim3A_62 = vector.broadcast %jit3A_60 : f32 to vector<256x256xf32>
    %broadcast_in_dim3A_63 = vector.broadcast %jit3A_61 : f32 to vector<256x256xf32>
    %select_n3A_64 = arith.select %eq3A_59, %broadcast_in_dim3A_62, %broadcast_in_dim3A_63 : vector<256x256xi1>, vector<256x256xf32>
    %convert_element_type3A_65 = arith.truncf %select_n3A_64 : vector<256x256xf32> to vector<256x256xbf16>
    %dot_general3A_66 = arith.constant dense<0.000000e+00> : vector<256x256xf32>
    %dot_general3A_67 = tpu.matmul %convert_element_type3A_65, %convert_element_type3A, %dot_general3A_66 {dimension_numbers = #tpu.dot_dimension_numbers<[1], [0], [0], [1], [0, 0, 1, 1], [], []>, transpose_lhs_hint = false} : vector<256x256xbf16>, vector<256x256xbf16>, vector<256x256xf32> -> vector<256x256xf32>
    %add3A_68 = arith.addf %add3A_16, %dot_general3A_67 : vector<256x256xf32>
    %max3A_69 = arith.constant 0.000000e+00 : f32
    %max3A_70 = vector.broadcast %max3A_69 : f32 to vector<256x256xf32>
    %max3A_71 = arith.maximumf %add3A_68, %max3A_70 : vector<256x256xf32>
    %dot_general3A_72 = arith.constant dense<0.000000e+00> : vector<256x256xf32>
    %dot_general3A_73 = tpu.matmul %max3A_71, %get3A_24, %dot_general3A_72 {dimension_numbers = #tpu.dot_dimension_numbers<[1], [0], [0], [1], [0, 0, 1, 1], [], []>, transpose_lhs_hint = false} : vector<256x256xf32>, vector<256x256xf32>, vector<256x256xf32> -> vector<256x256xf32>
    %max3A_74 = arith.maximumf %max3A_56, %dot_general3A_73 : vector<256x256xf32>
    %slice3A_75 = vector.extract_strided_slice %get3A_3 {offsets = [0, 3], sizes = [256, 1], strides = [1, 1]} : vector<256x16xi32> to vector<256x1xi32>
    %eq3A_76 = vector.broadcast %slice3A_75 : vector<256x1xi32> to vector<256x256xi32>
    %eq3A_77 = arith.cmpi eq, %iota3A, %eq3A_76 : vector<256x256xi32>
    %jit3A_78 = arith.constant 1.000000e+00 : f32
    %jit3A_79 = arith.constant 0.000000e+00 : f32
    %broadcast_in_dim3A_80 = vector.broadcast %jit3A_78 : f32 to vector<256x256xf32>
    %broadcast_in_dim3A_81 = vector.broadcast %jit3A_79 : f32 to vector<256x256xf32>
    %select_n3A_82 = arith.select %eq3A_77, %broadcast_in_dim3A_80, %broadcast_in_dim3A_81 : vector<256x256xi1>, vector<256x256xf32>
    %convert_element_type3A_83 = arith.truncf %select_n3A_82 : vector<256x256xf32> to vector<256x256xbf16>
    %dot_general3A_84 = arith.constant dense<0.000000e+00> : vector<256x256xf32>
    %dot_general3A_85 = tpu.matmul %convert_element_type3A_83, %convert_element_type3A, %dot_general3A_84 {dimension_numbers = #tpu.dot_dimension_numbers<[1], [0], [0], [1], [0, 0, 1, 1], [], []>, transpose_lhs_hint = false} : vector<256x256xbf16>, vector<256x256xbf16>, vector<256x256xf32> -> vector<256x256xf32>
    %add3A_86 = arith.addf %add3A_16, %dot_general3A_85 : vector<256x256xf32>
    %max3A_87 = arith.constant 0.000000e+00 : f32
    %max3A_88 = vector.broadcast %max3A_87 : f32 to vector<256x256xf32>
    %max3A_89 = arith.maximumf %add3A_86, %max3A_88 : vector<256x256xf32>
    %dot_general3A_90 = arith.constant dense<0.000000e+00> : vector<256x256xf32>
    %dot_general3A_91 = tpu.matmul %max3A_89, %get3A_24, %dot_general3A_90 {dimension_numbers = #tpu.dot_dimension_numbers<[1], [0], [0], [1], [0, 0, 1, 1], [], []>, transpose_lhs_hint = false} : vector<256x256xf32>, vector<256x256xf32>, vector<256x256xf32> -> vector<256x256xf32>
    %max3A_92 = arith.maximumf %max3A_74, %dot_general3A_91 : vector<256x256xf32>
    %slice3A_93 = vector.extract_strided_slice %get3A_3 {offsets = [0, 4], sizes = [256, 1], strides = [1, 1]} : vector<256x16xi32> to vector<256x1xi32>
    %eq3A_94 = vector.broadcast %slice3A_93 : vector<256x1xi32> to vector<256x256xi32>
    %eq3A_95 = arith.cmpi eq, %iota3A, %eq3A_94 : vector<256x256xi32>
    %jit3A_96 = arith.constant 1.000000e+00 : f32
    %jit3A_97 = arith.constant 0.000000e+00 : f32
    %broadcast_in_dim3A_98 = vector.broadcast %jit3A_96 : f32 to vector<256x256xf32>
    %broadcast_in_dim3A_99 = vector.broadcast %jit3A_97 : f32 to vector<256x256xf32>
    %select_n3A_100 = arith.select %eq3A_95, %broadcast_in_dim3A_98, %broadcast_in_dim3A_99 : vector<256x256xi1>, vector<256x256xf32>
    %convert_element_type3A_101 = arith.truncf %select_n3A_100 : vector<256x256xf32> to vector<256x256xbf16>
    %dot_general3A_102 = arith.constant dense<0.000000e+00> : vector<256x256xf32>
    %dot_general3A_103 = tpu.matmul %convert_element_type3A_101, %convert_element_type3A, %dot_general3A_102 {dimension_numbers = #tpu.dot_dimension_numbers<[1], [0], [0], [1], [0, 0, 1, 1], [], []>, transpose_lhs_hint = false} : vector<256x256xbf16>, vector<256x256xbf16>, vector<256x256xf32> -> vector<256x256xf32>
    %add3A_104 = arith.addf %add3A_16, %dot_general3A_103 : vector<256x256xf32>
    %max3A_105 = arith.constant 0.000000e+00 : f32
    %max3A_106 = vector.broadcast %max3A_105 : f32 to vector<256x256xf32>
    %max3A_107 = arith.maximumf %add3A_104, %max3A_106 : vector<256x256xf32>
    %dot_general3A_108 = arith.constant dense<0.000000e+00> : vector<256x256xf32>
    %dot_general3A_109 = tpu.matmul %max3A_107, %get3A_24, %dot_general3A_108 {dimension_numbers = #tpu.dot_dimension_numbers<[1], [0], [0], [1], [0, 0, 1, 1], [], []>, transpose_lhs_hint = false} : vector<256x256xf32>, vector<256x256xf32>, vector<256x256xf32> -> vector<256x256xf32>
    %max3A_110 = arith.maximumf %max3A_92, %dot_general3A_109 : vector<256x256xf32>
    %slice3A_111 = vector.extract_strided_slice %get3A_3 {offsets = [0, 5], sizes = [256, 1], strides = [1, 1]} : vector<256x16xi32> to vector<256x1xi32>
    %eq3A_112 = vector.broadcast %slice3A_111 : vector<256x1xi32> to vector<256x256xi32>
    %eq3A_113 = arith.cmpi eq, %iota3A, %eq3A_112 : vector<256x256xi32>
    %jit3A_114 = arith.constant 1.000000e+00 : f32
    %jit3A_115 = arith.constant 0.000000e+00 : f32
    %broadcast_in_dim3A_116 = vector.broadcast %jit3A_114 : f32 to vector<256x256xf32>
    %broadcast_in_dim3A_117 = vector.broadcast %jit3A_115 : f32 to vector<256x256xf32>
    %select_n3A_118 = arith.select %eq3A_113, %broadcast_in_dim3A_116, %broadcast_in_dim3A_117 : vector<256x256xi1>, vector<256x256xf32>
    %convert_element_type3A_119 = arith.truncf %select_n3A_118 : vector<256x256xf32> to vector<256x256xbf16>
    %dot_general3A_120 = arith.constant dense<0.000000e+00> : vector<256x256xf32>
    %dot_general3A_121 = tpu.matmul %convert_element_type3A_119, %convert_element_type3A, %dot_general3A_120 {dimension_numbers = #tpu.dot_dimension_numbers<[1], [0], [0], [1], [0, 0, 1, 1], [], []>, transpose_lhs_hint = false} : vector<256x256xbf16>, vector<256x256xbf16>, vector<256x256xf32> -> vector<256x256xf32>
    %add3A_122 = arith.addf %add3A_16, %dot_general3A_121 : vector<256x256xf32>
    %max3A_123 = arith.constant 0.000000e+00 : f32
    %max3A_124 = vector.broadcast %max3A_123 : f32 to vector<256x256xf32>
    %max3A_125 = arith.maximumf %add3A_122, %max3A_124 : vector<256x256xf32>
    %dot_general3A_126 = arith.constant dense<0.000000e+00> : vector<256x256xf32>
    %dot_general3A_127 = tpu.matmul %max3A_125, %get3A_24, %dot_general3A_126 {dimension_numbers = #tpu.dot_dimension_numbers<[1], [0], [0], [1], [0, 0, 1, 1], [], []>, transpose_lhs_hint = false} : vector<256x256xf32>, vector<256x256xf32>, vector<256x256xf32> -> vector<256x256xf32>
    %max3A_128 = arith.maximumf %max3A_110, %dot_general3A_127 : vector<256x256xf32>
    %slice3A_129 = vector.extract_strided_slice %get3A_3 {offsets = [0, 6], sizes = [256, 1], strides = [1, 1]} : vector<256x16xi32> to vector<256x1xi32>
    %eq3A_130 = vector.broadcast %slice3A_129 : vector<256x1xi32> to vector<256x256xi32>
    %eq3A_131 = arith.cmpi eq, %iota3A, %eq3A_130 : vector<256x256xi32>
    %jit3A_132 = arith.constant 1.000000e+00 : f32
    %jit3A_133 = arith.constant 0.000000e+00 : f32
    %broadcast_in_dim3A_134 = vector.broadcast %jit3A_132 : f32 to vector<256x256xf32>
    %broadcast_in_dim3A_135 = vector.broadcast %jit3A_133 : f32 to vector<256x256xf32>
    %select_n3A_136 = arith.select %eq3A_131, %broadcast_in_dim3A_134, %broadcast_in_dim3A_135 : vector<256x256xi1>, vector<256x256xf32>
    %convert_element_type3A_137 = arith.truncf %select_n3A_136 : vector<256x256xf32> to vector<256x256xbf16>
    %dot_general3A_138 = arith.constant dense<0.000000e+00> : vector<256x256xf32>
    %dot_general3A_139 = tpu.matmul %convert_element_type3A_137, %convert_element_type3A, %dot_general3A_138 {dimension_numbers = #tpu.dot_dimension_numbers<[1], [0], [0], [1], [0, 0, 1, 1], [], []>, transpose_lhs_hint = false} : vector<256x256xbf16>, vector<256x256xbf16>, vector<256x256xf32> -> vector<256x256xf32>
    %add3A_140 = arith.addf %add3A_16, %dot_general3A_139 : vector<256x256xf32>
    %max3A_141 = arith.constant 0.000000e+00 : f32
    %max3A_142 = vector.broadcast %max3A_141 : f32 to vector<256x256xf32>
    %max3A_143 = arith.maximumf %add3A_140, %max3A_142 : vector<256x256xf32>
    %dot_general3A_144 = arith.constant dense<0.000000e+00> : vector<256x256xf32>
    %dot_general3A_145 = tpu.matmul %max3A_143, %get3A_24, %dot_general3A_144 {dimension_numbers = #tpu.dot_dimension_numbers<[1], [0], [0], [1], [0, 0, 1, 1], [], []>, transpose_lhs_hint = false} : vector<256x256xf32>, vector<256x256xf32>, vector<256x256xf32> -> vector<256x256xf32>
    %max3A_146 = arith.maximumf %max3A_128, %dot_general3A_145 : vector<256x256xf32>
    %slice3A_147 = vector.extract_strided_slice %get3A_3 {offsets = [0, 7], sizes = [256, 1], strides = [1, 1]} : vector<256x16xi32> to vector<256x1xi32>
    %eq3A_148 = vector.broadcast %slice3A_147 : vector<256x1xi32> to vector<256x256xi32>
    %eq3A_149 = arith.cmpi eq, %iota3A, %eq3A_148 : vector<256x256xi32>
    %jit3A_150 = arith.constant 1.000000e+00 : f32
    %jit3A_151 = arith.constant 0.000000e+00 : f32
    %broadcast_in_dim3A_152 = vector.broadcast %jit3A_150 : f32 to vector<256x256xf32>
    %broadcast_in_dim3A_153 = vector.broadcast %jit3A_151 : f32 to vector<256x256xf32>
    %select_n3A_154 = arith.select %eq3A_149, %broadcast_in_dim3A_152, %broadcast_in_dim3A_153 : vector<256x256xi1>, vector<256x256xf32>
    %convert_element_type3A_155 = arith.truncf %select_n3A_154 : vector<256x256xf32> to vector<256x256xbf16>
    %dot_general3A_156 = arith.constant dense<0.000000e+00> : vector<256x256xf32>
    %dot_general3A_157 = tpu.matmul %convert_element_type3A_155, %convert_element_type3A, %dot_general3A_156 {dimension_numbers = #tpu.dot_dimension_numbers<[1], [0], [0], [1], [0, 0, 1, 1], [], []>, transpose_lhs_hint = false} : vector<256x256xbf16>, vector<256x256xbf16>, vector<256x256xf32> -> vector<256x256xf32>
    %add3A_158 = arith.addf %add3A_16, %dot_general3A_157 : vector<256x256xf32>
    %max3A_159 = arith.constant 0.000000e+00 : f32
    %max3A_160 = vector.broadcast %max3A_159 : f32 to vector<256x256xf32>
    %max3A_161 = arith.maximumf %add3A_158, %max3A_160 : vector<256x256xf32>
    %dot_general3A_162 = arith.constant dense<0.000000e+00> : vector<256x256xf32>
    %dot_general3A_163 = tpu.matmul %max3A_161, %get3A_24, %dot_general3A_162 {dimension_numbers = #tpu.dot_dimension_numbers<[1], [0], [0], [1], [0, 0, 1, 1], [], []>, transpose_lhs_hint = false} : vector<256x256xf32>, vector<256x256xf32>, vector<256x256xf32> -> vector<256x256xf32>
    %max3A_164 = arith.maximumf %max3A_146, %dot_general3A_163 : vector<256x256xf32>
    %slice3A_165 = vector.extract_strided_slice %get3A_3 {offsets = [0, 8], sizes = [256, 1], strides = [1, 1]} : vector<256x16xi32> to vector<256x1xi32>
    %eq3A_166 = vector.broadcast %slice3A_165 : vector<256x1xi32> to vector<256x256xi32>
    %eq3A_167 = arith.cmpi eq, %iota3A, %eq3A_166 : vector<256x256xi32>
    %jit3A_168 = arith.constant 1.000000e+00 : f32
    %jit3A_169 = arith.constant 0.000000e+00 : f32
    %broadcast_in_dim3A_170 = vector.broadcast %jit3A_168 : f32 to vector<256x256xf32>
    %broadcast_in_dim3A_171 = vector.broadcast %jit3A_169 : f32 to vector<256x256xf32>
    %select_n3A_172 = arith.select %eq3A_167, %broadcast_in_dim3A_170, %broadcast_in_dim3A_171 : vector<256x256xi1>, vector<256x256xf32>
    %convert_element_type3A_173 = arith.truncf %select_n3A_172 : vector<256x256xf32> to vector<256x256xbf16>
    %dot_general3A_174 = arith.constant dense<0.000000e+00> : vector<256x256xf32>
    %dot_general3A_175 = tpu.matmul %convert_element_type3A_173, %convert_element_type3A, %dot_general3A_174 {dimension_numbers = #tpu.dot_dimension_numbers<[1], [0], [0], [1], [0, 0, 1, 1], [], []>, transpose_lhs_hint = false} : vector<256x256xbf16>, vector<256x256xbf16>, vector<256x256xf32> -> vector<256x256xf32>
    %add3A_176 = arith.addf %add3A_16, %dot_general3A_175 : vector<256x256xf32>
    %max3A_177 = arith.constant 0.000000e+00 : f32
    %max3A_178 = vector.broadcast %max3A_177 : f32 to vector<256x256xf32>
    %max3A_179 = arith.maximumf %add3A_176, %max3A_178 : vector<256x256xf32>
    %dot_general3A_180 = arith.constant dense<0.000000e+00> : vector<256x256xf32>
    %dot_general3A_181 = tpu.matmul %max3A_179, %get3A_24, %dot_general3A_180 {dimension_numbers = #tpu.dot_dimension_numbers<[1], [0], [0], [1], [0, 0, 1, 1], [], []>, transpose_lhs_hint = false} : vector<256x256xf32>, vector<256x256xf32>, vector<256x256xf32> -> vector<256x256xf32>
    %max3A_182 = arith.maximumf %max3A_164, %dot_general3A_181 : vector<256x256xf32>
    %slice3A_183 = vector.extract_strided_slice %get3A_3 {offsets = [0, 9], sizes = [256, 1], strides = [1, 1]} : vector<256x16xi32> to vector<256x1xi32>
    %eq3A_184 = vector.broadcast %slice3A_183 : vector<256x1xi32> to vector<256x256xi32>
    %eq3A_185 = arith.cmpi eq, %iota3A, %eq3A_184 : vector<256x256xi32>
    %jit3A_186 = arith.constant 1.000000e+00 : f32
    %jit3A_187 = arith.constant 0.000000e+00 : f32
    %broadcast_in_dim3A_188 = vector.broadcast %jit3A_186 : f32 to vector<256x256xf32>
    %broadcast_in_dim3A_189 = vector.broadcast %jit3A_187 : f32 to vector<256x256xf32>
    %select_n3A_190 = arith.select %eq3A_185, %broadcast_in_dim3A_188, %broadcast_in_dim3A_189 : vector<256x256xi1>, vector<256x256xf32>
    %convert_element_type3A_191 = arith.truncf %select_n3A_190 : vector<256x256xf32> to vector<256x256xbf16>
    %dot_general3A_192 = arith.constant dense<0.000000e+00> : vector<256x256xf32>
    %dot_general3A_193 = tpu.matmul %convert_element_type3A_191, %convert_element_type3A, %dot_general3A_192 {dimension_numbers = #tpu.dot_dimension_numbers<[1], [0], [0], [1], [0, 0, 1, 1], [], []>, transpose_lhs_hint = false} : vector<256x256xbf16>, vector<256x256xbf16>, vector<256x256xf32> -> vector<256x256xf32>
    %add3A_194 = arith.addf %add3A_16, %dot_general3A_193 : vector<256x256xf32>
    %max3A_195 = arith.constant 0.000000e+00 : f32
    %max3A_196 = vector.broadcast %max3A_195 : f32 to vector<256x256xf32>
    %max3A_197 = arith.maximumf %add3A_194, %max3A_196 : vector<256x256xf32>
    %dot_general3A_198 = arith.constant dense<0.000000e+00> : vector<256x256xf32>
    %dot_general3A_199 = tpu.matmul %max3A_197, %get3A_24, %dot_general3A_198 {dimension_numbers = #tpu.dot_dimension_numbers<[1], [0], [0], [1], [0, 0, 1, 1], [], []>, transpose_lhs_hint = false} : vector<256x256xf32>, vector<256x256xf32>, vector<256x256xf32> -> vector<256x256xf32>
    %max3A_200 = arith.maximumf %max3A_182, %dot_general3A_199 : vector<256x256xf32>
    %slice3A_201 = vector.extract_strided_slice %get3A_3 {offsets = [0, 10], sizes = [256, 1], strides = [1, 1]} : vector<256x16xi32> to vector<256x1xi32>
    %eq3A_202 = vector.broadcast %slice3A_201 : vector<256x1xi32> to vector<256x256xi32>
    %eq3A_203 = arith.cmpi eq, %iota3A, %eq3A_202 : vector<256x256xi32>
    %jit3A_204 = arith.constant 1.000000e+00 : f32
    %jit3A_205 = arith.constant 0.000000e+00 : f32
    %broadcast_in_dim3A_206 = vector.broadcast %jit3A_204 : f32 to vector<256x256xf32>
    %broadcast_in_dim3A_207 = vector.broadcast %jit3A_205 : f32 to vector<256x256xf32>
    %select_n3A_208 = arith.select %eq3A_203, %broadcast_in_dim3A_206, %broadcast_in_dim3A_207 : vector<256x256xi1>, vector<256x256xf32>
    %convert_element_type3A_209 = arith.truncf %select_n3A_208 : vector<256x256xf32> to vector<256x256xbf16>
    %dot_general3A_210 = arith.constant dense<0.000000e+00> : vector<256x256xf32>
    %dot_general3A_211 = tpu.matmul %convert_element_type3A_209, %convert_element_type3A, %dot_general3A_210 {dimension_numbers = #tpu.dot_dimension_numbers<[1], [0], [0], [1], [0, 0, 1, 1], [], []>, transpose_lhs_hint = false} : vector<256x256xbf16>, vector<256x256xbf16>, vector<256x256xf32> -> vector<256x256xf32>
    %add3A_212 = arith.addf %add3A_16, %dot_general3A_211 : vector<256x256xf32>
    %max3A_213 = arith.constant 0.000000e+00 : f32
    %max3A_214 = vector.broadcast %max3A_213 : f32 to vector<256x256xf32>
    %max3A_215 = arith.maximumf %add3A_212, %max3A_214 : vector<256x256xf32>
    %dot_general3A_216 = arith.constant dense<0.000000e+00> : vector<256x256xf32>
    %dot_general3A_217 = tpu.matmul %max3A_215, %get3A_24, %dot_general3A_216 {dimension_numbers = #tpu.dot_dimension_numbers<[1], [0], [0], [1], [0, 0, 1, 1], [], []>, transpose_lhs_hint = false} : vector<256x256xf32>, vector<256x256xf32>, vector<256x256xf32> -> vector<256x256xf32>
    %max3A_218 = arith.maximumf %max3A_200, %dot_general3A_217 : vector<256x256xf32>
    %slice3A_219 = vector.extract_strided_slice %get3A_3 {offsets = [0, 11], sizes = [256, 1], strides = [1, 1]} : vector<256x16xi32> to vector<256x1xi32>
    %eq3A_220 = vector.broadcast %slice3A_219 : vector<256x1xi32> to vector<256x256xi32>
    %eq3A_221 = arith.cmpi eq, %iota3A, %eq3A_220 : vector<256x256xi32>
    %jit3A_222 = arith.constant 1.000000e+00 : f32
    %jit3A_223 = arith.constant 0.000000e+00 : f32
    %broadcast_in_dim3A_224 = vector.broadcast %jit3A_222 : f32 to vector<256x256xf32>
    %broadcast_in_dim3A_225 = vector.broadcast %jit3A_223 : f32 to vector<256x256xf32>
    %select_n3A_226 = arith.select %eq3A_221, %broadcast_in_dim3A_224, %broadcast_in_dim3A_225 : vector<256x256xi1>, vector<256x256xf32>
    %convert_element_type3A_227 = arith.truncf %select_n3A_226 : vector<256x256xf32> to vector<256x256xbf16>
    %dot_general3A_228 = arith.constant dense<0.000000e+00> : vector<256x256xf32>
    %dot_general3A_229 = tpu.matmul %convert_element_type3A_227, %convert_element_type3A, %dot_general3A_228 {dimension_numbers = #tpu.dot_dimension_numbers<[1], [0], [0], [1], [0, 0, 1, 1], [], []>, transpose_lhs_hint = false} : vector<256x256xbf16>, vector<256x256xbf16>, vector<256x256xf32> -> vector<256x256xf32>
    %add3A_230 = arith.addf %add3A_16, %dot_general3A_229 : vector<256x256xf32>
    %max3A_231 = arith.constant 0.000000e+00 : f32
    %max3A_232 = vector.broadcast %max3A_231 : f32 to vector<256x256xf32>
    %max3A_233 = arith.maximumf %add3A_230, %max3A_232 : vector<256x256xf32>
    %dot_general3A_234 = arith.constant dense<0.000000e+00> : vector<256x256xf32>
    %dot_general3A_235 = tpu.matmul %max3A_233, %get3A_24, %dot_general3A_234 {dimension_numbers = #tpu.dot_dimension_numbers<[1], [0], [0], [1], [0, 0, 1, 1], [], []>, transpose_lhs_hint = false} : vector<256x256xf32>, vector<256x256xf32>, vector<256x256xf32> -> vector<256x256xf32>
    %max3A_236 = arith.maximumf %max3A_218, %dot_general3A_235 : vector<256x256xf32>
    %slice3A_237 = vector.extract_strided_slice %get3A_3 {offsets = [0, 12], sizes = [256, 1], strides = [1, 1]} : vector<256x16xi32> to vector<256x1xi32>
    %eq3A_238 = vector.broadcast %slice3A_237 : vector<256x1xi32> to vector<256x256xi32>
    %eq3A_239 = arith.cmpi eq, %iota3A, %eq3A_238 : vector<256x256xi32>
    %jit3A_240 = arith.constant 1.000000e+00 : f32
    %jit3A_241 = arith.constant 0.000000e+00 : f32
    %broadcast_in_dim3A_242 = vector.broadcast %jit3A_240 : f32 to vector<256x256xf32>
    %broadcast_in_dim3A_243 = vector.broadcast %jit3A_241 : f32 to vector<256x256xf32>
    %select_n3A_244 = arith.select %eq3A_239, %broadcast_in_dim3A_242, %broadcast_in_dim3A_243 : vector<256x256xi1>, vector<256x256xf32>
    %convert_element_type3A_245 = arith.truncf %select_n3A_244 : vector<256x256xf32> to vector<256x256xbf16>
    %dot_general3A_246 = arith.constant dense<0.000000e+00> : vector<256x256xf32>
    %dot_general3A_247 = tpu.matmul %convert_element_type3A_245, %convert_element_type3A, %dot_general3A_246 {dimension_numbers = #tpu.dot_dimension_numbers<[1], [0], [0], [1], [0, 0, 1, 1], [], []>, transpose_lhs_hint = false} : vector<256x256xbf16>, vector<256x256xbf16>, vector<256x256xf32> -> vector<256x256xf32>
    %add3A_248 = arith.addf %add3A_16, %dot_general3A_247 : vector<256x256xf32>
    %max3A_249 = arith.constant 0.000000e+00 : f32
    %max3A_250 = vector.broadcast %max3A_249 : f32 to vector<256x256xf32>
    %max3A_251 = arith.maximumf %add3A_248, %max3A_250 : vector<256x256xf32>
    %dot_general3A_252 = arith.constant dense<0.000000e+00> : vector<256x256xf32>
    %dot_general3A_253 = tpu.matmul %max3A_251, %get3A_24, %dot_general3A_252 {dimension_numbers = #tpu.dot_dimension_numbers<[1], [0], [0], [1], [0, 0, 1, 1], [], []>, transpose_lhs_hint = false} : vector<256x256xf32>, vector<256x256xf32>, vector<256x256xf32> -> vector<256x256xf32>
    %max3A_254 = arith.maximumf %max3A_236, %dot_general3A_253 : vector<256x256xf32>
    %slice3A_255 = vector.extract_strided_slice %get3A_3 {offsets = [0, 13], sizes = [256, 1], strides = [1, 1]} : vector<256x16xi32> to vector<256x1xi32>
    %eq3A_256 = vector.broadcast %slice3A_255 : vector<256x1xi32> to vector<256x256xi32>
    %eq3A_257 = arith.cmpi eq, %iota3A, %eq3A_256 : vector<256x256xi32>
    %jit3A_258 = arith.constant 1.000000e+00 : f32
    %jit3A_259 = arith.constant 0.000000e+00 : f32
    %broadcast_in_dim3A_260 = vector.broadcast %jit3A_258 : f32 to vector<256x256xf32>
    %broadcast_in_dim3A_261 = vector.broadcast %jit3A_259 : f32 to vector<256x256xf32>
    %select_n3A_262 = arith.select %eq3A_257, %broadcast_in_dim3A_260, %broadcast_in_dim3A_261 : vector<256x256xi1>, vector<256x256xf32>
    %convert_element_type3A_263 = arith.truncf %select_n3A_262 : vector<256x256xf32> to vector<256x256xbf16>
    %dot_general3A_264 = arith.constant dense<0.000000e+00> : vector<256x256xf32>
    %dot_general3A_265 = tpu.matmul %convert_element_type3A_263, %convert_element_type3A, %dot_general3A_264 {dimension_numbers = #tpu.dot_dimension_numbers<[1], [0], [0], [1], [0, 0, 1, 1], [], []>, transpose_lhs_hint = false} : vector<256x256xbf16>, vector<256x256xbf16>, vector<256x256xf32> -> vector<256x256xf32>
    %add3A_266 = arith.addf %add3A_16, %dot_general3A_265 : vector<256x256xf32>
    %max3A_267 = arith.constant 0.000000e+00 : f32
    %max3A_268 = vector.broadcast %max3A_267 : f32 to vector<256x256xf32>
    %max3A_269 = arith.maximumf %add3A_266, %max3A_268 : vector<256x256xf32>
    %dot_general3A_270 = arith.constant dense<0.000000e+00> : vector<256x256xf32>
    %dot_general3A_271 = tpu.matmul %max3A_269, %get3A_24, %dot_general3A_270 {dimension_numbers = #tpu.dot_dimension_numbers<[1], [0], [0], [1], [0, 0, 1, 1], [], []>, transpose_lhs_hint = false} : vector<256x256xf32>, vector<256x256xf32>, vector<256x256xf32> -> vector<256x256xf32>
    %max3A_272 = arith.maximumf %max3A_254, %dot_general3A_271 : vector<256x256xf32>
    %slice3A_273 = vector.extract_strided_slice %get3A_3 {offsets = [0, 14], sizes = [256, 1], strides = [1, 1]} : vector<256x16xi32> to vector<256x1xi32>
    %eq3A_274 = vector.broadcast %slice3A_273 : vector<256x1xi32> to vector<256x256xi32>
    %eq3A_275 = arith.cmpi eq, %iota3A, %eq3A_274 : vector<256x256xi32>
    %jit3A_276 = arith.constant 1.000000e+00 : f32
    %jit3A_277 = arith.constant 0.000000e+00 : f32
    %broadcast_in_dim3A_278 = vector.broadcast %jit3A_276 : f32 to vector<256x256xf32>
    %broadcast_in_dim3A_279 = vector.broadcast %jit3A_277 : f32 to vector<256x256xf32>
    %select_n3A_280 = arith.select %eq3A_275, %broadcast_in_dim3A_278, %broadcast_in_dim3A_279 : vector<256x256xi1>, vector<256x256xf32>
    %convert_element_type3A_281 = arith.truncf %select_n3A_280 : vector<256x256xf32> to vector<256x256xbf16>
    %dot_general3A_282 = arith.constant dense<0.000000e+00> : vector<256x256xf32>
    %dot_general3A_283 = tpu.matmul %convert_element_type3A_281, %convert_element_type3A, %dot_general3A_282 {dimension_numbers = #tpu.dot_dimension_numbers<[1], [0], [0], [1], [0, 0, 1, 1], [], []>, transpose_lhs_hint = false} : vector<256x256xbf16>, vector<256x256xbf16>, vector<256x256xf32> -> vector<256x256xf32>
    %add3A_284 = arith.addf %add3A_16, %dot_general3A_283 : vector<256x256xf32>
    %max3A_285 = arith.constant 0.000000e+00 : f32
    %max3A_286 = vector.broadcast %max3A_285 : f32 to vector<256x256xf32>
    %max3A_287 = arith.maximumf %add3A_284, %max3A_286 : vector<256x256xf32>
    %dot_general3A_288 = arith.constant dense<0.000000e+00> : vector<256x256xf32>
    %dot_general3A_289 = tpu.matmul %max3A_287, %get3A_24, %dot_general3A_288 {dimension_numbers = #tpu.dot_dimension_numbers<[1], [0], [0], [1], [0, 0, 1, 1], [], []>, transpose_lhs_hint = false} : vector<256x256xf32>, vector<256x256xf32>, vector<256x256xf32> -> vector<256x256xf32>
    %max3A_290 = arith.maximumf %max3A_272, %dot_general3A_289 : vector<256x256xf32>
    %slice3A_291 = vector.extract_strided_slice %get3A_3 {offsets = [0, 15], sizes = [256, 1], strides = [1, 1]} : vector<256x16xi32> to vector<256x1xi32>
    %eq3A_292 = vector.broadcast %slice3A_291 : vector<256x1xi32> to vector<256x256xi32>
    %eq3A_293 = arith.cmpi eq, %iota3A, %eq3A_292 : vector<256x256xi32>
    %jit3A_294 = arith.constant 1.000000e+00 : f32
    %jit3A_295 = arith.constant 0.000000e+00 : f32
    %broadcast_in_dim3A_296 = vector.broadcast %jit3A_294 : f32 to vector<256x256xf32>
    %broadcast_in_dim3A_297 = vector.broadcast %jit3A_295 : f32 to vector<256x256xf32>
    %select_n3A_298 = arith.select %eq3A_293, %broadcast_in_dim3A_296, %broadcast_in_dim3A_297 : vector<256x256xi1>, vector<256x256xf32>
    %convert_element_type3A_299 = arith.truncf %select_n3A_298 : vector<256x256xf32> to vector<256x256xbf16>
    %dot_general3A_300 = arith.constant dense<0.000000e+00> : vector<256x256xf32>
    %dot_general3A_301 = tpu.matmul %convert_element_type3A_299, %convert_element_type3A, %dot_general3A_300 {dimension_numbers = #tpu.dot_dimension_numbers<[1], [0], [0], [1], [0, 0, 1, 1], [], []>, transpose_lhs_hint = false} : vector<256x256xbf16>, vector<256x256xbf16>, vector<256x256xf32> -> vector<256x256xf32>
    %add3A_302 = arith.addf %add3A_16, %dot_general3A_301 : vector<256x256xf32>
    %max3A_303 = arith.constant 0.000000e+00 : f32
    %max3A_304 = vector.broadcast %max3A_303 : f32 to vector<256x256xf32>
    %max3A_305 = arith.maximumf %add3A_302, %max3A_304 : vector<256x256xf32>
    %dot_general3A_306 = arith.constant dense<0.000000e+00> : vector<256x256xf32>
    %dot_general3A_307 = tpu.matmul %max3A_305, %get3A_24, %dot_general3A_306 {dimension_numbers = #tpu.dot_dimension_numbers<[1], [0], [0], [1], [0, 0, 1, 1], [], []>, transpose_lhs_hint = false} : vector<256x256xf32>, vector<256x256xf32>, vector<256x256xf32> -> vector<256x256xf32>
    %max3A_308 = arith.maximumf %max3A_290, %dot_general3A_307 : vector<256x256xf32>
    %get3A_309 = arith.constant 0 : index
    %get3A_310 = arith.constant 0 : index
    %get3A_311 = vector.load %arg8[%get3A_309, %get3A_310] : memref<1x256xf32, #tpu.memory_space<vmem>>, vector<1x256xf32>
    %add3A_312 = vector.broadcast %get3A_311 : vector<1x256xf32> to vector<256x256xf32>
    %add3A_313 = arith.addf %max3A_308, %add3A_312 : vector<256x256xf32>
    %max3A_314 = arith.constant 0.000000e+00 : f32
    %max3A_315 = vector.broadcast %max3A_314 : f32 to vector<256x256xf32>
    %max3A_316 = arith.maximumf %add3A_313, %max3A_315 : vector<256x256xf32>
    %get3A_317 = arith.constant 0 : index
    %get3A_318 = arith.constant 0 : index
    %get3A_319 = vector.load %arg9[%get3A_317, %get3A_318] : memref<256x256xf32, #tpu.memory_space<vmem>>, vector<256x256xf32>
    %dot_general3A_320 = arith.constant dense<0.000000e+00> : vector<256x256xf32>
    %dot_general3A_321 = tpu.matmul %max3A_316, %get3A_319, %dot_general3A_320 {dimension_numbers = #tpu.dot_dimension_numbers<[1], [0], [0], [1], [0, 0, 1, 1], [], []>, transpose_lhs_hint = false} : vector<256x256xf32>, vector<256x256xf32>, vector<256x256xf32> -> vector<256x256xf32>
    %get3A_322 = arith.constant 0 : index
    %get3A_323 = arith.constant 0 : index
    %get3A_324 = vector.load %arg11[%get3A_322, %get3A_323] : memref<1x256xf32, #tpu.memory_space<vmem>>, vector<1x256xf32>
    %add3A_325 = vector.broadcast %get3A_324 : vector<1x256xf32> to vector<256x256xf32>
    %add3A_326 = arith.addf %dot_general3A_321, %add3A_325 : vector<256x256xf32>
    %get3A_327 = arith.constant 0 : index
    %get3A_328 = arith.constant 0 : index
    %get3A_329 = vector.load %arg10[%get3A_327, %get3A_328] : memref<256x256xf32, #tpu.memory_space<vmem>>, vector<256x256xf32>
    %dot_general3A_330 = arith.constant dense<0.000000e+00> : vector<256x256xf32>
    %dot_general3A_331 = tpu.matmul %max3A_316, %get3A_329, %dot_general3A_330 {dimension_numbers = #tpu.dot_dimension_numbers<[1], [0], [0], [1], [0, 0, 1, 1], [], []>, transpose_lhs_hint = false} : vector<256x256xf32>, vector<256x256xf32>, vector<256x256xf32> -> vector<256x256xf32>
    %convert_element_type3A_332 = arith.truncf %dot_general3A_331 : vector<256x256xf32> to vector<256x256xbf16>
    %get3A_333 = arith.constant 0 : index
    %get3A_334 = arith.constant 0 : index
    %get3A_335 = vector.load %arg12[%get3A_333, %get3A_334] : memref<256x256xf32, #tpu.memory_space<vmem>>, vector<256x256xf32>
    %broadcast_in_dim3A_336 = arith.constant 0xFF800000 : f32
    %broadcast_in_dim3A_337 = vector.broadcast %broadcast_in_dim3A_336 : f32 to vector<256x256xf32>
    %slice3A_338 = vector.extract_strided_slice %get3A_3 {offsets = [0, 0], sizes = [256, 1], strides = [1, 1]} : vector<256x16xi32> to vector<256x1xi32>
    %eq3A_339 = vector.broadcast %slice3A_338 : vector<256x1xi32> to vector<256x256xi32>
    %eq3A_340 = arith.cmpi eq, %iota3A, %eq3A_339 : vector<256x256xi32>
    %jit3A_341 = arith.constant 1.000000e+00 : f32
    %jit3A_342 = arith.constant 0.000000e+00 : f32
    %broadcast_in_dim3A_343 = vector.broadcast %jit3A_341 : f32 to vector<256x256xf32>
    %broadcast_in_dim3A_344 = vector.broadcast %jit3A_342 : f32 to vector<256x256xf32>
    %select_n3A_345 = arith.select %eq3A_340, %broadcast_in_dim3A_343, %broadcast_in_dim3A_344 : vector<256x256xi1>, vector<256x256xf32>
    %convert_element_type3A_346 = arith.truncf %select_n3A_345 : vector<256x256xf32> to vector<256x256xbf16>
    %dot_general3A_347 = arith.constant dense<0.000000e+00> : vector<256x256xf32>
    %dot_general3A_348 = tpu.matmul %convert_element_type3A_346, %convert_element_type3A_332, %dot_general3A_347 {dimension_numbers = #tpu.dot_dimension_numbers<[1], [0], [0], [1], [0, 0, 1, 1], [], []>, transpose_lhs_hint = false} : vector<256x256xbf16>, vector<256x256xbf16>, vector<256x256xf32> -> vector<256x256xf32>
    %add3A_349 = arith.addf %add3A_326, %dot_general3A_348 : vector<256x256xf32>
    %max3A_350 = arith.constant 0.000000e+00 : f32
    %max3A_351 = vector.broadcast %max3A_350 : f32 to vector<256x256xf32>
    %max3A_352 = arith.maximumf %add3A_349, %max3A_351 : vector<256x256xf32>
    %dot_general3A_353 = arith.constant dense<0.000000e+00> : vector<256x256xf32>
    %dot_general3A_354 = tpu.matmul %max3A_352, %get3A_335, %dot_general3A_353 {dimension_numbers = #tpu.dot_dimension_numbers<[1], [0], [0], [1], [0, 0, 1, 1], [], []>, transpose_lhs_hint = false} : vector<256x256xf32>, vector<256x256xf32>, vector<256x256xf32> -> vector<256x256xf32>
    %max3A_355 = arith.maximumf %broadcast_in_dim3A_337, %dot_general3A_354 : vector<256x256xf32>
    %slice3A_356 = vector.extract_strided_slice %get3A_3 {offsets = [0, 1], sizes = [256, 1], strides = [1, 1]} : vector<256x16xi32> to vector<256x1xi32>
    %eq3A_357 = vector.broadcast %slice3A_356 : vector<256x1xi32> to vector<256x256xi32>
    %eq3A_358 = arith.cmpi eq, %iota3A, %eq3A_357 : vector<256x256xi32>
    %jit3A_359 = arith.constant 1.000000e+00 : f32
    %jit3A_360 = arith.constant 0.000000e+00 : f32
    %broadcast_in_dim3A_361 = vector.broadcast %jit3A_359 : f32 to vector<256x256xf32>
    %broadcast_in_dim3A_362 = vector.broadcast %jit3A_360 : f32 to vector<256x256xf32>
    %select_n3A_363 = arith.select %eq3A_358, %broadcast_in_dim3A_361, %broadcast_in_dim3A_362 : vector<256x256xi1>, vector<256x256xf32>
    %convert_element_type3A_364 = arith.truncf %select_n3A_363 : vector<256x256xf32> to vector<256x256xbf16>
    %dot_general3A_365 = arith.constant dense<0.000000e+00> : vector<256x256xf32>
    %dot_general3A_366 = tpu.matmul %convert_element_type3A_364, %convert_element_type3A_332, %dot_general3A_365 {dimension_numbers = #tpu.dot_dimension_numbers<[1], [0], [0], [1], [0, 0, 1, 1], [], []>, transpose_lhs_hint = false} : vector<256x256xbf16>, vector<256x256xbf16>, vector<256x256xf32> -> vector<256x256xf32>
    %add3A_367 = arith.addf %add3A_326, %dot_general3A_366 : vector<256x256xf32>
    %max3A_368 = arith.constant 0.000000e+00 : f32
    %max3A_369 = vector.broadcast %max3A_368 : f32 to vector<256x256xf32>
    %max3A_370 = arith.maximumf %add3A_367, %max3A_369 : vector<256x256xf32>
    %dot_general3A_371 = arith.constant dense<0.000000e+00> : vector<256x256xf32>
    %dot_general3A_372 = tpu.matmul %max3A_370, %get3A_335, %dot_general3A_371 {dimension_numbers = #tpu.dot_dimension_numbers<[1], [0], [0], [1], [0, 0, 1, 1], [], []>, transpose_lhs_hint = false} : vector<256x256xf32>, vector<256x256xf32>, vector<256x256xf32> -> vector<256x256xf32>
    %max3A_373 = arith.maximumf %max3A_355, %dot_general3A_372 : vector<256x256xf32>
    %slice3A_374 = vector.extract_strided_slice %get3A_3 {offsets = [0, 2], sizes = [256, 1], strides = [1, 1]} : vector<256x16xi32> to vector<256x1xi32>
    %eq3A_375 = vector.broadcast %slice3A_374 : vector<256x1xi32> to vector<256x256xi32>
    %eq3A_376 = arith.cmpi eq, %iota3A, %eq3A_375 : vector<256x256xi32>
    %jit3A_377 = arith.constant 1.000000e+00 : f32
    %jit3A_378 = arith.constant 0.000000e+00 : f32
    %broadcast_in_dim3A_379 = vector.broadcast %jit3A_377 : f32 to vector<256x256xf32>
    %broadcast_in_dim3A_380 = vector.broadcast %jit3A_378 : f32 to vector<256x256xf32>
    %select_n3A_381 = arith.select %eq3A_376, %broadcast_in_dim3A_379, %broadcast_in_dim3A_380 : vector<256x256xi1>, vector<256x256xf32>
    %convert_element_type3A_382 = arith.truncf %select_n3A_381 : vector<256x256xf32> to vector<256x256xbf16>
    %dot_general3A_383 = arith.constant dense<0.000000e+00> : vector<256x256xf32>
    %dot_general3A_384 = tpu.matmul %convert_element_type3A_382, %convert_element_type3A_332, %dot_general3A_383 {dimension_numbers = #tpu.dot_dimension_numbers<[1], [0], [0], [1], [0, 0, 1, 1], [], []>, transpose_lhs_hint = false} : vector<256x256xbf16>, vector<256x256xbf16>, vector<256x256xf32> -> vector<256x256xf32>
    %add3A_385 = arith.addf %add3A_326, %dot_general3A_384 : vector<256x256xf32>
    %max3A_386 = arith.constant 0.000000e+00 : f32
    %max3A_387 = vector.broadcast %max3A_386 : f32 to vector<256x256xf32>
    %max3A_388 = arith.maximumf %add3A_385, %max3A_387 : vector<256x256xf32>
    %dot_general3A_389 = arith.constant dense<0.000000e+00> : vector<256x256xf32>
    %dot_general3A_390 = tpu.matmul %max3A_388, %get3A_335, %dot_general3A_389 {dimension_numbers = #tpu.dot_dimension_numbers<[1], [0], [0], [1], [0, 0, 1, 1], [], []>, transpose_lhs_hint = false} : vector<256x256xf32>, vector<256x256xf32>, vector<256x256xf32> -> vector<256x256xf32>
    %max3A_391 = arith.maximumf %max3A_373, %dot_general3A_390 : vector<256x256xf32>
    %slice3A_392 = vector.extract_strided_slice %get3A_3 {offsets = [0, 3], sizes = [256, 1], strides = [1, 1]} : vector<256x16xi32> to vector<256x1xi32>
    %eq3A_393 = vector.broadcast %slice3A_392 : vector<256x1xi32> to vector<256x256xi32>
    %eq3A_394 = arith.cmpi eq, %iota3A, %eq3A_393 : vector<256x256xi32>
    %jit3A_395 = arith.constant 1.000000e+00 : f32
    %jit3A_396 = arith.constant 0.000000e+00 : f32
    %broadcast_in_dim3A_397 = vector.broadcast %jit3A_395 : f32 to vector<256x256xf32>
    %broadcast_in_dim3A_398 = vector.broadcast %jit3A_396 : f32 to vector<256x256xf32>
    %select_n3A_399 = arith.select %eq3A_394, %broadcast_in_dim3A_397, %broadcast_in_dim3A_398 : vector<256x256xi1>, vector<256x256xf32>
    %convert_element_type3A_400 = arith.truncf %select_n3A_399 : vector<256x256xf32> to vector<256x256xbf16>
    %dot_general3A_401 = arith.constant dense<0.000000e+00> : vector<256x256xf32>
    %dot_general3A_402 = tpu.matmul %convert_element_type3A_400, %convert_element_type3A_332, %dot_general3A_401 {dimension_numbers = #tpu.dot_dimension_numbers<[1], [0], [0], [1], [0, 0, 1, 1], [], []>, transpose_lhs_hint = false} : vector<256x256xbf16>, vector<256x256xbf16>, vector<256x256xf32> -> vector<256x256xf32>
    %add3A_403 = arith.addf %add3A_326, %dot_general3A_402 : vector<256x256xf32>
    %max3A_404 = arith.constant 0.000000e+00 : f32
    %max3A_405 = vector.broadcast %max3A_404 : f32 to vector<256x256xf32>
    %max3A_406 = arith.maximumf %add3A_403, %max3A_405 : vector<256x256xf32>
    %dot_general3A_407 = arith.constant dense<0.000000e+00> : vector<256x256xf32>
    %dot_general3A_408 = tpu.matmul %max3A_406, %get3A_335, %dot_general3A_407 {dimension_numbers = #tpu.dot_dimension_numbers<[1], [0], [0], [1], [0, 0, 1, 1], [], []>, transpose_lhs_hint = false} : vector<256x256xf32>, vector<256x256xf32>, vector<256x256xf32> -> vector<256x256xf32>
    %max3A_409 = arith.maximumf %max3A_391, %dot_general3A_408 : vector<256x256xf32>
    %slice3A_410 = vector.extract_strided_slice %get3A_3 {offsets = [0, 4], sizes = [256, 1], strides = [1, 1]} : vector<256x16xi32> to vector<256x1xi32>
    %eq3A_411 = vector.broadcast %slice3A_410 : vector<256x1xi32> to vector<256x256xi32>
    %eq3A_412 = arith.cmpi eq, %iota3A, %eq3A_411 : vector<256x256xi32>
    %jit3A_413 = arith.constant 1.000000e+00 : f32
    %jit3A_414 = arith.constant 0.000000e+00 : f32
    %broadcast_in_dim3A_415 = vector.broadcast %jit3A_413 : f32 to vector<256x256xf32>
    %broadcast_in_dim3A_416 = vector.broadcast %jit3A_414 : f32 to vector<256x256xf32>
    %select_n3A_417 = arith.select %eq3A_412, %broadcast_in_dim3A_415, %broadcast_in_dim3A_416 : vector<256x256xi1>, vector<256x256xf32>
    %convert_element_type3A_418 = arith.truncf %select_n3A_417 : vector<256x256xf32> to vector<256x256xbf16>
    %dot_general3A_419 = arith.constant dense<0.000000e+00> : vector<256x256xf32>
    %dot_general3A_420 = tpu.matmul %convert_element_type3A_418, %convert_element_type3A_332, %dot_general3A_419 {dimension_numbers = #tpu.dot_dimension_numbers<[1], [0], [0], [1], [0, 0, 1, 1], [], []>, transpose_lhs_hint = false} : vector<256x256xbf16>, vector<256x256xbf16>, vector<256x256xf32> -> vector<256x256xf32>
    %add3A_421 = arith.addf %add3A_326, %dot_general3A_420 : vector<256x256xf32>
    %max3A_422 = arith.constant 0.000000e+00 : f32
    %max3A_423 = vector.broadcast %max3A_422 : f32 to vector<256x256xf32>
    %max3A_424 = arith.maximumf %add3A_421, %max3A_423 : vector<256x256xf32>
    %dot_general3A_425 = arith.constant dense<0.000000e+00> : vector<256x256xf32>
    %dot_general3A_426 = tpu.matmul %max3A_424, %get3A_335, %dot_general3A_425 {dimension_numbers = #tpu.dot_dimension_numbers<[1], [0], [0], [1], [0, 0, 1, 1], [], []>, transpose_lhs_hint = false} : vector<256x256xf32>, vector<256x256xf32>, vector<256x256xf32> -> vector<256x256xf32>
    %max3A_427 = arith.maximumf %max3A_409, %dot_general3A_426 : vector<256x256xf32>
    %slice3A_428 = vector.extract_strided_slice %get3A_3 {offsets = [0, 5], sizes = [256, 1], strides = [1, 1]} : vector<256x16xi32> to vector<256x1xi32>
    %eq3A_429 = vector.broadcast %slice3A_428 : vector<256x1xi32> to vector<256x256xi32>
    %eq3A_430 = arith.cmpi eq, %iota3A, %eq3A_429 : vector<256x256xi32>
    %jit3A_431 = arith.constant 1.000000e+00 : f32
    %jit3A_432 = arith.constant 0.000000e+00 : f32
    %broadcast_in_dim3A_433 = vector.broadcast %jit3A_431 : f32 to vector<256x256xf32>
    %broadcast_in_dim3A_434 = vector.broadcast %jit3A_432 : f32 to vector<256x256xf32>
    %select_n3A_435 = arith.select %eq3A_430, %broadcast_in_dim3A_433, %broadcast_in_dim3A_434 : vector<256x256xi1>, vector<256x256xf32>
    %convert_element_type3A_436 = arith.truncf %select_n3A_435 : vector<256x256xf32> to vector<256x256xbf16>
    %dot_general3A_437 = arith.constant dense<0.000000e+00> : vector<256x256xf32>
    %dot_general3A_438 = tpu.matmul %convert_element_type3A_436, %convert_element_type3A_332, %dot_general3A_437 {dimension_numbers = #tpu.dot_dimension_numbers<[1], [0], [0], [1], [0, 0, 1, 1], [], []>, transpose_lhs_hint = false} : vector<256x256xbf16>, vector<256x256xbf16>, vector<256x256xf32> -> vector<256x256xf32>
    %add3A_439 = arith.addf %add3A_326, %dot_general3A_438 : vector<256x256xf32>
    %max3A_440 = arith.constant 0.000000e+00 : f32
    %max3A_441 = vector.broadcast %max3A_440 : f32 to vector<256x256xf32>
    %max3A_442 = arith.maximumf %add3A_439, %max3A_441 : vector<256x256xf32>
    %dot_general3A_443 = arith.constant dense<0.000000e+00> : vector<256x256xf32>
    %dot_general3A_444 = tpu.matmul %max3A_442, %get3A_335, %dot_general3A_443 {dimension_numbers = #tpu.dot_dimension_numbers<[1], [0], [0], [1], [0, 0, 1, 1], [], []>, transpose_lhs_hint = false} : vector<256x256xf32>, vector<256x256xf32>, vector<256x256xf32> -> vector<256x256xf32>
    %max3A_445 = arith.maximumf %max3A_427, %dot_general3A_444 : vector<256x256xf32>
    %slice3A_446 = vector.extract_strided_slice %get3A_3 {offsets = [0, 6], sizes = [256, 1], strides = [1, 1]} : vector<256x16xi32> to vector<256x1xi32>
    %eq3A_447 = vector.broadcast %slice3A_446 : vector<256x1xi32> to vector<256x256xi32>
    %eq3A_448 = arith.cmpi eq, %iota3A, %eq3A_447 : vector<256x256xi32>
    %jit3A_449 = arith.constant 1.000000e+00 : f32
    %jit3A_450 = arith.constant 0.000000e+00 : f32
    %broadcast_in_dim3A_451 = vector.broadcast %jit3A_449 : f32 to vector<256x256xf32>
    %broadcast_in_dim3A_452 = vector.broadcast %jit3A_450 : f32 to vector<256x256xf32>
    %select_n3A_453 = arith.select %eq3A_448, %broadcast_in_dim3A_451, %broadcast_in_dim3A_452 : vector<256x256xi1>, vector<256x256xf32>
    %convert_element_type3A_454 = arith.truncf %select_n3A_453 : vector<256x256xf32> to vector<256x256xbf16>
    %dot_general3A_455 = arith.constant dense<0.000000e+00> : vector<256x256xf32>
    %dot_general3A_456 = tpu.matmul %convert_element_type3A_454, %convert_element_type3A_332, %dot_general3A_455 {dimension_numbers = #tpu.dot_dimension_numbers<[1], [0], [0], [1], [0, 0, 1, 1], [], []>, transpose_lhs_hint = false} : vector<256x256xbf16>, vector<256x256xbf16>, vector<256x256xf32> -> vector<256x256xf32>
    %add3A_457 = arith.addf %add3A_326, %dot_general3A_456 : vector<256x256xf32>
    %max3A_458 = arith.constant 0.000000e+00 : f32
    %max3A_459 = vector.broadcast %max3A_458 : f32 to vector<256x256xf32>
    %max3A_460 = arith.maximumf %add3A_457, %max3A_459 : vector<256x256xf32>
    %dot_general3A_461 = arith.constant dense<0.000000e+00> : vector<256x256xf32>
    %dot_general3A_462 = tpu.matmul %max3A_460, %get3A_335, %dot_general3A_461 {dimension_numbers = #tpu.dot_dimension_numbers<[1], [0], [0], [1], [0, 0, 1, 1], [], []>, transpose_lhs_hint = false} : vector<256x256xf32>, vector<256x256xf32>, vector<256x256xf32> -> vector<256x256xf32>
    %max3A_463 = arith.maximumf %max3A_445, %dot_general3A_462 : vector<256x256xf32>
    %slice3A_464 = vector.extract_strided_slice %get3A_3 {offsets = [0, 7], sizes = [256, 1], strides = [1, 1]} : vector<256x16xi32> to vector<256x1xi32>
    %eq3A_465 = vector.broadcast %slice3A_464 : vector<256x1xi32> to vector<256x256xi32>
    %eq3A_466 = arith.cmpi eq, %iota3A, %eq3A_465 : vector<256x256xi32>
    %jit3A_467 = arith.constant 1.000000e+00 : f32
    %jit3A_468 = arith.constant 0.000000e+00 : f32
    %broadcast_in_dim3A_469 = vector.broadcast %jit3A_467 : f32 to vector<256x256xf32>
    %broadcast_in_dim3A_470 = vector.broadcast %jit3A_468 : f32 to vector<256x256xf32>
    %select_n3A_471 = arith.select %eq3A_466, %broadcast_in_dim3A_469, %broadcast_in_dim3A_470 : vector<256x256xi1>, vector<256x256xf32>
    %convert_element_type3A_472 = arith.truncf %select_n3A_471 : vector<256x256xf32> to vector<256x256xbf16>
    %dot_general3A_473 = arith.constant dense<0.000000e+00> : vector<256x256xf32>
    %dot_general3A_474 = tpu.matmul %convert_element_type3A_472, %convert_element_type3A_332, %dot_general3A_473 {dimension_numbers = #tpu.dot_dimension_numbers<[1], [0], [0], [1], [0, 0, 1, 1], [], []>, transpose_lhs_hint = false} : vector<256x256xbf16>, vector<256x256xbf16>, vector<256x256xf32> -> vector<256x256xf32>
    %add3A_475 = arith.addf %add3A_326, %dot_general3A_474 : vector<256x256xf32>
    %max3A_476 = arith.constant 0.000000e+00 : f32
    %max3A_477 = vector.broadcast %max3A_476 : f32 to vector<256x256xf32>
    %max3A_478 = arith.maximumf %add3A_475, %max3A_477 : vector<256x256xf32>
    %dot_general3A_479 = arith.constant dense<0.000000e+00> : vector<256x256xf32>
    %dot_general3A_480 = tpu.matmul %max3A_478, %get3A_335, %dot_general3A_479 {dimension_numbers = #tpu.dot_dimension_numbers<[1], [0], [0], [1], [0, 0, 1, 1], [], []>, transpose_lhs_hint = false} : vector<256x256xf32>, vector<256x256xf32>, vector<256x256xf32> -> vector<256x256xf32>
    %max3A_481 = arith.maximumf %max3A_463, %dot_general3A_480 : vector<256x256xf32>
    %slice3A_482 = vector.extract_strided_slice %get3A_3 {offsets = [0, 8], sizes = [256, 1], strides = [1, 1]} : vector<256x16xi32> to vector<256x1xi32>
    %eq3A_483 = vector.broadcast %slice3A_482 : vector<256x1xi32> to vector<256x256xi32>
    %eq3A_484 = arith.cmpi eq, %iota3A, %eq3A_483 : vector<256x256xi32>
    %jit3A_485 = arith.constant 1.000000e+00 : f32
    %jit3A_486 = arith.constant 0.000000e+00 : f32
    %broadcast_in_dim3A_487 = vector.broadcast %jit3A_485 : f32 to vector<256x256xf32>
    %broadcast_in_dim3A_488 = vector.broadcast %jit3A_486 : f32 to vector<256x256xf32>
    %select_n3A_489 = arith.select %eq3A_484, %broadcast_in_dim3A_487, %broadcast_in_dim3A_488 : vector<256x256xi1>, vector<256x256xf32>
    %convert_element_type3A_490 = arith.truncf %select_n3A_489 : vector<256x256xf32> to vector<256x256xbf16>
    %dot_general3A_491 = arith.constant dense<0.000000e+00> : vector<256x256xf32>
    %dot_general3A_492 = tpu.matmul %convert_element_type3A_490, %convert_element_type3A_332, %dot_general3A_491 {dimension_numbers = #tpu.dot_dimension_numbers<[1], [0], [0], [1], [0, 0, 1, 1], [], []>, transpose_lhs_hint = false} : vector<256x256xbf16>, vector<256x256xbf16>, vector<256x256xf32> -> vector<256x256xf32>
    %add3A_493 = arith.addf %add3A_326, %dot_general3A_492 : vector<256x256xf32>
    %max3A_494 = arith.constant 0.000000e+00 : f32
    %max3A_495 = vector.broadcast %max3A_494 : f32 to vector<256x256xf32>
    %max3A_496 = arith.maximumf %add3A_493, %max3A_495 : vector<256x256xf32>
    %dot_general3A_497 = arith.constant dense<0.000000e+00> : vector<256x256xf32>
    %dot_general3A_498 = tpu.matmul %max3A_496, %get3A_335, %dot_general3A_497 {dimension_numbers = #tpu.dot_dimension_numbers<[1], [0], [0], [1], [0, 0, 1, 1], [], []>, transpose_lhs_hint = false} : vector<256x256xf32>, vector<256x256xf32>, vector<256x256xf32> -> vector<256x256xf32>
    %max3A_499 = arith.maximumf %max3A_481, %dot_general3A_498 : vector<256x256xf32>
    %slice3A_500 = vector.extract_strided_slice %get3A_3 {offsets = [0, 9], sizes = [256, 1], strides = [1, 1]} : vector<256x16xi32> to vector<256x1xi32>
    %eq3A_501 = vector.broadcast %slice3A_500 : vector<256x1xi32> to vector<256x256xi32>
    %eq3A_502 = arith.cmpi eq, %iota3A, %eq3A_501 : vector<256x256xi32>
    %jit3A_503 = arith.constant 1.000000e+00 : f32
    %jit3A_504 = arith.constant 0.000000e+00 : f32
    %broadcast_in_dim3A_505 = vector.broadcast %jit3A_503 : f32 to vector<256x256xf32>
    %broadcast_in_dim3A_506 = vector.broadcast %jit3A_504 : f32 to vector<256x256xf32>
    %select_n3A_507 = arith.select %eq3A_502, %broadcast_in_dim3A_505, %broadcast_in_dim3A_506 : vector<256x256xi1>, vector<256x256xf32>
    %convert_element_type3A_508 = arith.truncf %select_n3A_507 : vector<256x256xf32> to vector<256x256xbf16>
    %dot_general3A_509 = arith.constant dense<0.000000e+00> : vector<256x256xf32>
    %dot_general3A_510 = tpu.matmul %convert_element_type3A_508, %convert_element_type3A_332, %dot_general3A_509 {dimension_numbers = #tpu.dot_dimension_numbers<[1], [0], [0], [1], [0, 0, 1, 1], [], []>, transpose_lhs_hint = false} : vector<256x256xbf16>, vector<256x256xbf16>, vector<256x256xf32> -> vector<256x256xf32>
    %add3A_511 = arith.addf %add3A_326, %dot_general3A_510 : vector<256x256xf32>
    %max3A_512 = arith.constant 0.000000e+00 : f32
    %max3A_513 = vector.broadcast %max3A_512 : f32 to vector<256x256xf32>
    %max3A_514 = arith.maximumf %add3A_511, %max3A_513 : vector<256x256xf32>
    %dot_general3A_515 = arith.constant dense<0.000000e+00> : vector<256x256xf32>
    %dot_general3A_516 = tpu.matmul %max3A_514, %get3A_335, %dot_general3A_515 {dimension_numbers = #tpu.dot_dimension_numbers<[1], [0], [0], [1], [0, 0, 1, 1], [], []>, transpose_lhs_hint = false} : vector<256x256xf32>, vector<256x256xf32>, vector<256x256xf32> -> vector<256x256xf32>
    %max3A_517 = arith.maximumf %max3A_499, %dot_general3A_516 : vector<256x256xf32>
    %slice3A_518 = vector.extract_strided_slice %get3A_3 {offsets = [0, 10], sizes = [256, 1], strides = [1, 1]} : vector<256x16xi32> to vector<256x1xi32>
    %eq3A_519 = vector.broadcast %slice3A_518 : vector<256x1xi32> to vector<256x256xi32>
    %eq3A_520 = arith.cmpi eq, %iota3A, %eq3A_519 : vector<256x256xi32>
    %jit3A_521 = arith.constant 1.000000e+00 : f32
    %jit3A_522 = arith.constant 0.000000e+00 : f32
    %broadcast_in_dim3A_523 = vector.broadcast %jit3A_521 : f32 to vector<256x256xf32>
    %broadcast_in_dim3A_524 = vector.broadcast %jit3A_522 : f32 to vector<256x256xf32>
    %select_n3A_525 = arith.select %eq3A_520, %broadcast_in_dim3A_523, %broadcast_in_dim3A_524 : vector<256x256xi1>, vector<256x256xf32>
    %convert_element_type3A_526 = arith.truncf %select_n3A_525 : vector<256x256xf32> to vector<256x256xbf16>
    %dot_general3A_527 = arith.constant dense<0.000000e+00> : vector<256x256xf32>
    %dot_general3A_528 = tpu.matmul %convert_element_type3A_526, %convert_element_type3A_332, %dot_general3A_527 {dimension_numbers = #tpu.dot_dimension_numbers<[1], [0], [0], [1], [0, 0, 1, 1], [], []>, transpose_lhs_hint = false} : vector<256x256xbf16>, vector<256x256xbf16>, vector<256x256xf32> -> vector<256x256xf32>
    %add3A_529 = arith.addf %add3A_326, %dot_general3A_528 : vector<256x256xf32>
    %max3A_530 = arith.constant 0.000000e+00 : f32
    %max3A_531 = vector.broadcast %max3A_530 : f32 to vector<256x256xf32>
    %max3A_532 = arith.maximumf %add3A_529, %max3A_531 : vector<256x256xf32>
    %dot_general3A_533 = arith.constant dense<0.000000e+00> : vector<256x256xf32>
    %dot_general3A_534 = tpu.matmul %max3A_532, %get3A_335, %dot_general3A_533 {dimension_numbers = #tpu.dot_dimension_numbers<[1], [0], [0], [1], [0, 0, 1, 1], [], []>, transpose_lhs_hint = false} : vector<256x256xf32>, vector<256x256xf32>, vector<256x256xf32> -> vector<256x256xf32>
    %max3A_535 = arith.maximumf %max3A_517, %dot_general3A_534 : vector<256x256xf32>
    %slice3A_536 = vector.extract_strided_slice %get3A_3 {offsets = [0, 11], sizes = [256, 1], strides = [1, 1]} : vector<256x16xi32> to vector<256x1xi32>
    %eq3A_537 = vector.broadcast %slice3A_536 : vector<256x1xi32> to vector<256x256xi32>
    %eq3A_538 = arith.cmpi eq, %iota3A, %eq3A_537 : vector<256x256xi32>
    %jit3A_539 = arith.constant 1.000000e+00 : f32
    %jit3A_540 = arith.constant 0.000000e+00 : f32
    %broadcast_in_dim3A_541 = vector.broadcast %jit3A_539 : f32 to vector<256x256xf32>
    %broadcast_in_dim3A_542 = vector.broadcast %jit3A_540 : f32 to vector<256x256xf32>
    %select_n3A_543 = arith.select %eq3A_538, %broadcast_in_dim3A_541, %broadcast_in_dim3A_542 : vector<256x256xi1>, vector<256x256xf32>
    %convert_element_type3A_544 = arith.truncf %select_n3A_543 : vector<256x256xf32> to vector<256x256xbf16>
    %dot_general3A_545 = arith.constant dense<0.000000e+00> : vector<256x256xf32>
    %dot_general3A_546 = tpu.matmul %convert_element_type3A_544, %convert_element_type3A_332, %dot_general3A_545 {dimension_numbers = #tpu.dot_dimension_numbers<[1], [0], [0], [1], [0, 0, 1, 1], [], []>, transpose_lhs_hint = false} : vector<256x256xbf16>, vector<256x256xbf16>, vector<256x256xf32> -> vector<256x256xf32>
    %add3A_547 = arith.addf %add3A_326, %dot_general3A_546 : vector<256x256xf32>
    %max3A_548 = arith.constant 0.000000e+00 : f32
    %max3A_549 = vector.broadcast %max3A_548 : f32 to vector<256x256xf32>
    %max3A_550 = arith.maximumf %add3A_547, %max3A_549 : vector<256x256xf32>
    %dot_general3A_551 = arith.constant dense<0.000000e+00> : vector<256x256xf32>
    %dot_general3A_552 = tpu.matmul %max3A_550, %get3A_335, %dot_general3A_551 {dimension_numbers = #tpu.dot_dimension_numbers<[1], [0], [0], [1], [0, 0, 1, 1], [], []>, transpose_lhs_hint = false} : vector<256x256xf32>, vector<256x256xf32>, vector<256x256xf32> -> vector<256x256xf32>
    %max3A_553 = arith.maximumf %max3A_535, %dot_general3A_552 : vector<256x256xf32>
    %slice3A_554 = vector.extract_strided_slice %get3A_3 {offsets = [0, 12], sizes = [256, 1], strides = [1, 1]} : vector<256x16xi32> to vector<256x1xi32>
    %eq3A_555 = vector.broadcast %slice3A_554 : vector<256x1xi32> to vector<256x256xi32>
    %eq3A_556 = arith.cmpi eq, %iota3A, %eq3A_555 : vector<256x256xi32>
    %jit3A_557 = arith.constant 1.000000e+00 : f32
    %jit3A_558 = arith.constant 0.000000e+00 : f32
    %broadcast_in_dim3A_559 = vector.broadcast %jit3A_557 : f32 to vector<256x256xf32>
    %broadcast_in_dim3A_560 = vector.broadcast %jit3A_558 : f32 to vector<256x256xf32>
    %select_n3A_561 = arith.select %eq3A_556, %broadcast_in_dim3A_559, %broadcast_in_dim3A_560 : vector<256x256xi1>, vector<256x256xf32>
    %convert_element_type3A_562 = arith.truncf %select_n3A_561 : vector<256x256xf32> to vector<256x256xbf16>
    %dot_general3A_563 = arith.constant dense<0.000000e+00> : vector<256x256xf32>
    %dot_general3A_564 = tpu.matmul %convert_element_type3A_562, %convert_element_type3A_332, %dot_general3A_563 {dimension_numbers = #tpu.dot_dimension_numbers<[1], [0], [0], [1], [0, 0, 1, 1], [], []>, transpose_lhs_hint = false} : vector<256x256xbf16>, vector<256x256xbf16>, vector<256x256xf32> -> vector<256x256xf32>
    %add3A_565 = arith.addf %add3A_326, %dot_general3A_564 : vector<256x256xf32>
    %max3A_566 = arith.constant 0.000000e+00 : f32
    %max3A_567 = vector.broadcast %max3A_566 : f32 to vector<256x256xf32>
    %max3A_568 = arith.maximumf %add3A_565, %max3A_567 : vector<256x256xf32>
    %dot_general3A_569 = arith.constant dense<0.000000e+00> : vector<256x256xf32>
    %dot_general3A_570 = tpu.matmul %max3A_568, %get3A_335, %dot_general3A_569 {dimension_numbers = #tpu.dot_dimension_numbers<[1], [0], [0], [1], [0, 0, 1, 1], [], []>, transpose_lhs_hint = false} : vector<256x256xf32>, vector<256x256xf32>, vector<256x256xf32> -> vector<256x256xf32>
    %max3A_571 = arith.maximumf %max3A_553, %dot_general3A_570 : vector<256x256xf32>
    %slice3A_572 = vector.extract_strided_slice %get3A_3 {offsets = [0, 13], sizes = [256, 1], strides = [1, 1]} : vector<256x16xi32> to vector<256x1xi32>
    %eq3A_573 = vector.broadcast %slice3A_572 : vector<256x1xi32> to vector<256x256xi32>
    %eq3A_574 = arith.cmpi eq, %iota3A, %eq3A_573 : vector<256x256xi32>
    %jit3A_575 = arith.constant 1.000000e+00 : f32
    %jit3A_576 = arith.constant 0.000000e+00 : f32
    %broadcast_in_dim3A_577 = vector.broadcast %jit3A_575 : f32 to vector<256x256xf32>
    %broadcast_in_dim3A_578 = vector.broadcast %jit3A_576 : f32 to vector<256x256xf32>
    %select_n3A_579 = arith.select %eq3A_574, %broadcast_in_dim3A_577, %broadcast_in_dim3A_578 : vector<256x256xi1>, vector<256x256xf32>
    %convert_element_type3A_580 = arith.truncf %select_n3A_579 : vector<256x256xf32> to vector<256x256xbf16>
    %dot_general3A_581 = arith.constant dense<0.000000e+00> : vector<256x256xf32>
    %dot_general3A_582 = tpu.matmul %convert_element_type3A_580, %convert_element_type3A_332, %dot_general3A_581 {dimension_numbers = #tpu.dot_dimension_numbers<[1], [0], [0], [1], [0, 0, 1, 1], [], []>, transpose_lhs_hint = false} : vector<256x256xbf16>, vector<256x256xbf16>, vector<256x256xf32> -> vector<256x256xf32>
    %add3A_583 = arith.addf %add3A_326, %dot_general3A_582 : vector<256x256xf32>
    %max3A_584 = arith.constant 0.000000e+00 : f32
    %max3A_585 = vector.broadcast %max3A_584 : f32 to vector<256x256xf32>
    %max3A_586 = arith.maximumf %add3A_583, %max3A_585 : vector<256x256xf32>
    %dot_general3A_587 = arith.constant dense<0.000000e+00> : vector<256x256xf32>
    %dot_general3A_588 = tpu.matmul %max3A_586, %get3A_335, %dot_general3A_587 {dimension_numbers = #tpu.dot_dimension_numbers<[1], [0], [0], [1], [0, 0, 1, 1], [], []>, transpose_lhs_hint = false} : vector<256x256xf32>, vector<256x256xf32>, vector<256x256xf32> -> vector<256x256xf32>
    %max3A_589 = arith.maximumf %max3A_571, %dot_general3A_588 : vector<256x256xf32>
    %slice3A_590 = vector.extract_strided_slice %get3A_3 {offsets = [0, 14], sizes = [256, 1], strides = [1, 1]} : vector<256x16xi32> to vector<256x1xi32>
    %eq3A_591 = vector.broadcast %slice3A_590 : vector<256x1xi32> to vector<256x256xi32>
    %eq3A_592 = arith.cmpi eq, %iota3A, %eq3A_591 : vector<256x256xi32>
    %jit3A_593 = arith.constant 1.000000e+00 : f32
    %jit3A_594 = arith.constant 0.000000e+00 : f32
    %broadcast_in_dim3A_595 = vector.broadcast %jit3A_593 : f32 to vector<256x256xf32>
    %broadcast_in_dim3A_596 = vector.broadcast %jit3A_594 : f32 to vector<256x256xf32>
    %select_n3A_597 = arith.select %eq3A_592, %broadcast_in_dim3A_595, %broadcast_in_dim3A_596 : vector<256x256xi1>, vector<256x256xf32>
    %convert_element_type3A_598 = arith.truncf %select_n3A_597 : vector<256x256xf32> to vector<256x256xbf16>
    %dot_general3A_599 = arith.constant dense<0.000000e+00> : vector<256x256xf32>
    %dot_general3A_600 = tpu.matmul %convert_element_type3A_598, %convert_element_type3A_332, %dot_general3A_599 {dimension_numbers = #tpu.dot_dimension_numbers<[1], [0], [0], [1], [0, 0, 1, 1], [], []>, transpose_lhs_hint = false} : vector<256x256xbf16>, vector<256x256xbf16>, vector<256x256xf32> -> vector<256x256xf32>
    %add3A_601 = arith.addf %add3A_326, %dot_general3A_600 : vector<256x256xf32>
    %max3A_602 = arith.constant 0.000000e+00 : f32
    %max3A_603 = vector.broadcast %max3A_602 : f32 to vector<256x256xf32>
    %max3A_604 = arith.maximumf %add3A_601, %max3A_603 : vector<256x256xf32>
    %dot_general3A_605 = arith.constant dense<0.000000e+00> : vector<256x256xf32>
    %dot_general3A_606 = tpu.matmul %max3A_604, %get3A_335, %dot_general3A_605 {dimension_numbers = #tpu.dot_dimension_numbers<[1], [0], [0], [1], [0, 0, 1, 1], [], []>, transpose_lhs_hint = false} : vector<256x256xf32>, vector<256x256xf32>, vector<256x256xf32> -> vector<256x256xf32>
    %max3A_607 = arith.maximumf %max3A_589, %dot_general3A_606 : vector<256x256xf32>
    %slice3A_608 = vector.extract_strided_slice %get3A_3 {offsets = [0, 15], sizes = [256, 1], strides = [1, 1]} : vector<256x16xi32> to vector<256x1xi32>
    %eq3A_609 = vector.broadcast %slice3A_608 : vector<256x1xi32> to vector<256x256xi32>
    %eq3A_610 = arith.cmpi eq, %iota3A, %eq3A_609 : vector<256x256xi32>
    %jit3A_611 = arith.constant 1.000000e+00 : f32
    %jit3A_612 = arith.constant 0.000000e+00 : f32
    %broadcast_in_dim3A_613 = vector.broadcast %jit3A_611 : f32 to vector<256x256xf32>
    %broadcast_in_dim3A_614 = vector.broadcast %jit3A_612 : f32 to vector<256x256xf32>
    %select_n3A_615 = arith.select %eq3A_610, %broadcast_in_dim3A_613, %broadcast_in_dim3A_614 : vector<256x256xi1>, vector<256x256xf32>
    %convert_element_type3A_616 = arith.truncf %select_n3A_615 : vector<256x256xf32> to vector<256x256xbf16>
    %dot_general3A_617 = arith.constant dense<0.000000e+00> : vector<256x256xf32>
    %dot_general3A_618 = tpu.matmul %convert_element_type3A_616, %convert_element_type3A_332, %dot_general3A_617 {dimension_numbers = #tpu.dot_dimension_numbers<[1], [0], [0], [1], [0, 0, 1, 1], [], []>, transpose_lhs_hint = false} : vector<256x256xbf16>, vector<256x256xbf16>, vector<256x256xf32> -> vector<256x256xf32>
    %add3A_619 = arith.addf %add3A_326, %dot_general3A_618 : vector<256x256xf32>
    %max3A_620 = arith.constant 0.000000e+00 : f32
    %max3A_621 = vector.broadcast %max3A_620 : f32 to vector<256x256xf32>
    %max3A_622 = arith.maximumf %add3A_619, %max3A_621 : vector<256x256xf32>
    %dot_general3A_623 = arith.constant dense<0.000000e+00> : vector<256x256xf32>
    %dot_general3A_624 = tpu.matmul %max3A_622, %get3A_335, %dot_general3A_623 {dimension_numbers = #tpu.dot_dimension_numbers<[1], [0], [0], [1], [0, 0, 1, 1], [], []>, transpose_lhs_hint = false} : vector<256x256xf32>, vector<256x256xf32>, vector<256x256xf32> -> vector<256x256xf32>
    %max3A_625 = arith.maximumf %max3A_607, %dot_general3A_624 : vector<256x256xf32>
    %get3A_626 = arith.constant 0 : index
    %get3A_627 = arith.constant 0 : index
    %get3A_628 = vector.load %arg13[%get3A_626, %get3A_627] : memref<1x256xf32, #tpu.memory_space<vmem>>, vector<1x256xf32>
    %add3A_629 = vector.broadcast %get3A_628 : vector<1x256xf32> to vector<256x256xf32>
    %add3A_630 = arith.addf %max3A_625, %add3A_629 : vector<256x256xf32>
    %get3A_631 = arith.constant 0 : index
    %get3A_632 = arith.constant 0 : index
    %get3A_633 = arith.constant 0 : index
    %get3A_634 = vector.load %arg2[%get3A_631, %get3A_632, %get3A_633] : memref<1x256x1xf32, #tpu.memory_space<vmem>>, vector<1x256x1xf32>
    %get3A_635 = vector.shape_cast %get3A_634 : vector<1x256x1xf32> to vector<256x1xf32>
    %gt3A = arith.constant 0.000000e+00 : f32
    %gt3A_636 = vector.broadcast %gt3A : f32 to vector<256x1xf32>
    %gt3A_637 = arith.cmpf ogt, %get3A_635, %gt3A_636 : vector<256x1xf32>
    %broadcast_in_dim3A_638 = vector.shape_cast %gt3A_637 : vector<256x1xi1> to vector<256x1xi1>
    %broadcast_in_dim3A_639 = vector.broadcast %broadcast_in_dim3A_638 : vector<256x1xi1> to vector<256x256xi1>
    %select_n3A_640 = arith.select %broadcast_in_dim3A_639, %add3A_630, %get3A_8 : vector<256x256xi1>, vector<256x256xf32>
    %swap3A = arith.constant 0 : index
    %swap3A_641 = arith.constant 0 : index
    %swap3A_642 = arith.constant 0 : index
    %swap3A_643 = vector.load %arg14[%swap3A, %swap3A_641, %swap3A_642] : memref<1x256x256xf32, #tpu.memory_space<vmem>>, vector<1x256x256xf32>
    %swap3A_644 = vector.shape_cast %swap3A_643 : vector<1x256x256xf32> to vector<256x256xf32>
    %swap3A_645 = vector.shape_cast %select_n3A_640 : vector<256x256xf32> to vector<1x256x256xf32>
    tpu.vector_store %arg14[%swap3A, %swap3A_641, %swap3A_642], %swap3A_645 {strides = array<i32>} : memref<1x256x256xf32, #tpu.memory_space<vmem>>, vector<1x256x256xf32>,
    return
  }
  func.func @transform_0(%arg0: i32) -> (i32, i32, i32) {
    %c0_i32 = arith.constant 0 : i32
    %c0_i32_0 = arith.constant 0 : i32
    %c0_i32_1 = arith.constant 0 : i32
    return %arg0, %c0_i32, %c0_i32_0 : i32, i32, i32
  }
  func.func @transform_1(%arg0: i32) -> (i32, i32, i32) {
    %c0_i32 = arith.constant 0 : i32
    %c0_i32_0 = arith.constant 0 : i32
    %c0_i32_1 = arith.constant 0 : i32
    return %arg0, %c0_i32, %c0_i32_0 : i32, i32, i32
  }
  func.func @transform_2(%arg0: i32) -> (i32, i32, i32) {
    %c0_i32 = arith.constant 0 : i32
    %c0_i32_0 = arith.constant 0 : i32
    %c0_i32_1 = arith.constant 0 : i32
    return %arg0, %c0_i32, %c0_i32_0 : i32, i32, i32
  }
  func.func @transform_3(%arg0: i32) -> (i32, i32) {
    %c0_i32 = arith.constant 0 : i32
    %c0_i32_0 = arith.constant 0 : i32
    %c0_i32_1 = arith.constant 0 : i32
    return %c0_i32, %c0_i32_0 : i32, i32
  }
  func.func @transform_4(%arg0: i32) -> (i32, i32) {
    %c0_i32 = arith.constant 0 : i32
    %c0_i32_0 = arith.constant 0 : i32
    %c0_i32_1 = arith.constant 0 : i32
    return %c0_i32, %c0_i32_0 : i32, i32
  }
  func.func @transform_5(%arg0: i32) -> (i32, i32) {
    %c0_i32 = arith.constant 0 : i32
    %c0_i32_0 = arith.constant 0 : i32
    %c0_i32_1 = arith.constant 0 : i32
    return %c0_i32, %c0_i32_0 : i32, i32
  }
  func.func @transform_6(%arg0: i32) -> (i32, i32) {
    %c0_i32 = arith.constant 0 : i32
    %c0_i32_0 = arith.constant 0 : i32
    %c0_i32_1 = arith.constant 0 : i32
    return %c0_i32, %c0_i32_0 : i32, i32
  }
  func.func @transform_7(%arg0: i32) -> (i32, i32) {
    %c0_i32 = arith.constant 0 : i32
    %c0_i32_0 = arith.constant 0 : i32
    %c0_i32_1 = arith.constant 0 : i32
    return %c0_i32, %c0_i32_0 : i32, i32
  }
  func.func @transform_8(%arg0: i32) -> (i32, i32) {
    %c0_i32 = arith.constant 0 : i32
    %c0_i32_0 = arith.constant 0 : i32
    %c0_i32_1 = arith.constant 0 : i32
    return %c0_i32, %c0_i32_0 : i32, i32
  }
  func.func @transform_9(%arg0: i32) -> (i32, i32) {
    %c0_i32 = arith.constant 0 : i32
    %c0_i32_0 = arith.constant 0 : i32
    %c0_i32_1 = arith.constant 0 : i32
    return %c0_i32, %c0_i32_0 : i32, i32
  }
  func.func @transform_10(%arg0: i32) -> (i32, i32) {
    %c0_i32 = arith.constant 0 : i32
    %c0_i32_0 = arith.constant 0 : i32
    %c0_i32_1 = arith.constant 0 : i32
    return %c0_i32, %c0_i32_0 : i32, i32
  }
  func.func @transform_11(%arg0: i32) -> (i32, i32) {
    %c0_i32 = arith.constant 0 : i32
    %c0_i32_0 = arith.constant 0 : i32
    %c0_i32_1 = arith.constant 0 : i32
    return %c0_i32, %c0_i32_0 : i32, i32
  }
  func.func @transform_12(%arg0: i32) -> (i32, i32) {
    %c0_i32 = arith.constant 0 : i32
    %c0_i32_0 = arith.constant 0 : i32
    %c0_i32_1 = arith.constant 0 : i32
    return %c0_i32, %c0_i32_0 : i32, i32
  }
  func.func @transform_13(%arg0: i32) -> (i32, i32, i32) {
    %c0_i32 = arith.constant 0 : i32
    %c0_i32_0 = arith.constant 0 : i32
    %c0_i32_1 = arith.constant 0 : i32
    return %arg0, %c0_i32, %c0_i32_0 : i32, i32, i32
  }
}

</mosaic_0001>

<sc_bundles>
// kernel: kernel.4.cloned.1.call-start
scs
__scs_entry_jumppad:
0x0: {  	(pc) =	sbr.rel $0x88, $3  }
0x1: {  	(tag) =	ssettag $0x0;
	lr =	simm.s32 $0x1  }
0x2: {  	[smem:$0x3F96] =	sst lr;
	_ =	strace $0xD0000000  }
0x3: {  	_ = 	snop  }
0x4: {  	_ = 	snop  }
0x5: {  	_ = 	snop  }
0x6: {  	_ = 	snop  }
0x7: {  	_ = 	snop  }
__scs_overlays_trampoline_lowered:
0x8: {  	[smem:$0x3FA5] =	sst s0  }
0x9: {  	[smem:$0x3FA6] =	sst s1  }
0xa: {  	[smem:$0x3FA7] =	sst s2  }
0xb: {  	[smem:$0x3FA8] =	sst s3  }
0xc: {  	[smem:$0x3FA9] =	sst s4  }
0xd: {  	[smem:$0x3FAA] =	sst s5  }
0xe: {  	[smem:$0x3FAB] =	sst s6  }
0xf: {  	[smem:$0x3FAC] =	sst s7  }
0x10: {  	[smem:$0x3FAD] =	sst s8  }
0x11: {  	[smem:$0x3FAE] =	sst s9;
	s0 =	simm.s32 @!p0 $0x0  }
0x12: {  	s1 =	sld [smem:$0x3F94];
	s0 =	simm.s32 @p0 $0x1  }
0x13: {  	[smem:$0x3FAF] =	sst s0;
	s0 =	simm.s32 @!p1 $0x0  }
0x14: {  	s2 =	sld [smem:$0x3F93];
	s0 =	simm.s32 @p1 $0x1  }
0x15: {  	[smem:$0x3FB0] =	sst s0;
	s0 =	simm.s32 @!p2 $0x0  }
0x16: {  	s3 =	sld [smem:$0x3FDB];
	s0 =	simm.s32 @p2 $0x1  }
0x17: {  	s4 =	simm.s32 $0x1BF5;
	[smem:$0x3FB2] =	sst s0  }
0x18: {  	s0 =	sld [smem:$0x3F95];
	_ =	swait.ge [sflag:s4], $0x0  }
0x19: {  	s7 =	sld [smem:$0x3F96]  }
0x1a: {  	s8 =	sadd.s32 $0xFFFFE003, lr  }
0x1b: {  	s9 =	sadd.s32 $0xFFFFFEF7, lr;
	s5 =	simm.s32 $0xFFFFFFFF;
	p2 =	slt.u32 s8, $0xFFFFF086  }
0x1c: {  	p1 =	slt.u32 s9, $0xF7A;
	s5 =	simm.s32 @!p2 $0x0  }
0x1d: {  	s5 =	simm.s32 @p1 $0x1;
	p0 =	seq.s32 s7, s2  }
0x1e: {  	s7 =	smul.u32 @!p0 $0xF7A, s2;
	p2 =	seq.s32 @!p0 s5, $0x0  }
0x1f: {  	s9 =	smul.u32 $0xF7A, s1;
	s8 =	simm.s32 @!p0 $0x1BF5;
	p2 =	por !p2, p0  }
0x20: {  	[sflag:s8] =	ssyncset.s32 @!p0 $0xFFFFF086;
	s6 =	sadd.s32 @!p0 s3, s7;
	s7 =	simm.s32 @!p0 $0x108  }
0x21: {  	s3 =	sadd.s32 s3, s9;
	s6 =	sadd.s32 @!p0 $0x88, s6;
	s7 =	simm.s32 @p2 $0x1082  }
0x22: {  	[simem:s7], [sflag:s8] =	dma.local @!p0 [hbm:s6], $0xF7A  }
0x23: {  	s9 =	sor.u32 $0xD0000000, s2;
	s6 =	simm.s32 $0x108;
	_ =	swait.ge @!p0 [sflag:s8], $0x0  }
0x24: {  	s3 =	sadd.s32 $0x88, s3;
	s6 =	simm.s32 @!p1 $0x1082;
	[sflag:s4] =	ssyncset.s32 $0xFFFFF086  }
0x25: {  	[simem:s6], [sflag:s4] =	dma.local [hbm:s3], $0xF7A  }
0x26: {  	[smem:$0x3F96] =	sst s1;
	(tag) =	ssettag s2;
	_ =	strace s9  }
0x27: {  	s1 =	sld [smem:$0x3FA6]  }
0x28: {  	s2 =	sld [smem:$0x3FA7]  }
0x29: {  	s4 =	sld [smem:$0x3FA9]  }
0x2a: {  	p0 =	seq.s32 s5, $0x0;
	s5 =	sld [smem:$0x3FAA]  }
0x2b: {  	s6 =	sld [smem:$0x3FAB]  }
0x2c: {  	s7 =	sld [smem:$0x3FAC]  }
0x2d: {  	s3 =	simm.s32 $0x108;
	s8 =	sld [smem:$0x3FAD]  }
0x2e: {  	s3 =	simm.s32 @!p0 $0x1082;
	s9 =	sld [smem:$0x3FAE]  }
0x2f: {  	lr =	sadd.s32 s0, s3;
	s0 =	sld [smem:$0x3FA5]  }
0x30: {  	s3 =	sld [smem:$0x3FA8]  }
0x31: {  	[smem:$0x3FB1] =	sst s10  }
0x32: {  	s10 =	sld [smem:$0x3FAF];
	_ =	sdelay $0x3  }
0x33: {  	p0 =	seq.s32 s10, $0x1;
	s10 =	sld [smem:$0x3FB1];
	_ =	sdelay $0x3  }
0x34: {  	[smem:$0x3FB1] =	sst s10  }
0x35: {  	s10 =	sld [smem:$0x3FB0];
	_ =	sdelay $0x3  }
0x36: {  	p1 =	seq.s32 s10, $0x1;
	s10 =	sld [smem:$0x3FB1];
	_ =	sdelay $0x3  }
0x37: {  	[smem:$0x3FB1] =	sst s10  }
0x38: {  	s10 =	sld [smem:$0x3FB2]  }
0x39: {  	_ = 	snop;
	(pc) =	sbr.ind lr, $3  }
0x3a: {  	_ = 	snop  }
0x3b: {  	_ = 	snop  }
0x3c: {  	p2 =	seq.s32 s10, $0x1;
	s10 =	sld [smem:$0x3FB1]  }
0x3d: {  	_ =	shalt  }
0x3e: {  	_ =	shalt  }
0x3f: {  	_ =	shalt  }
0x40: {  	_ =	shalt  }
0x41: {  	_ =	shalt  }
0x42: {  	_ =	shalt  }
0x43: {  	_ =	shalt  }
0x44: {  	_ =	shalt  }
0x45: {  	_ =	shalt  }
0x46: {  	_ =	shalt  }
0x47: {  	_ =	shalt  }
0x48: {  	_ =	shalt  }
0x49: {  	_ =	shalt  }
0x4a: {  	_ =	shalt  }
0x4b: {  	_ =	shalt  }
0x4c: {  	_ =	shalt  }
0x4d: {  	_ =	shalt  }
0x4e: {  	_ =	shalt  }
0x4f: {  	_ =	shalt  }
0x50: {  	_ =	shalt  }
0x51: {  	_ =	shalt  }
0x52: {  	_ =	shalt  }
0x53: {  	_ =	shalt  }
0x54: {  	_ =	shalt  }
0x55: {  	_ =	shalt  }
0x56: {  	_ =	shalt  }
0x57: {  	_ =	shalt  }
0x58: {  	_ =	shalt  }
0x59: {  	_ =	shalt  }
0x5a: {  	_ =	shalt  }
0x5b: {  	_ =	shalt  }
0x5c: {  	_ =	shalt  }
0x5d: {  	_ =	shalt  }
0x5e: {  	_ =	shalt  }
0x5f: {  	_ =	shalt  }
0x60: {  	_ =	shalt  }
0x61: {  	_ =	shalt  }
0x62: {  	_ =	shalt  }
0x63: {  	_ =	shalt  }
0x64: {  	_ =	shalt  }
0x65: {  	_ =	shalt  }
0x66: {  	_ =	shalt  }
0x67: {  	_ =	shalt  }
0x68: {  	_ =	shalt  }
0x69: {  	_ =	shalt  }
0x6a: {  	_ =	shalt  }
0x6b: {  	_ =	shalt  }
0x6c: {  	_ =	shalt  }
0x6d: {  	_ =	shalt  }
0x6e: {  	_ =	shalt  }
0x6f: {  	_ =	shalt  }
0x70: {  	_ =	shalt  }
0x71: {  	_ =	shalt  }
0x72: {  	_ =	shalt  }
0x73: {  	_ =	shalt  }
0x74: {  	_ =	shalt  }
0x75: {  	_ =	shalt  }
0x76: {  	_ =	shalt  }
0x77: {  	_ =	shalt  }
0x78: {  	_ =	shalt  }
0x79: {  	_ =	shalt  }
0x7a: {  	_ =	shalt  }
0x7b: {  	_ =	shalt  }
0x7c: {  	_ =	shalt  }
0x7d: {  	_ =	shalt  }
0x7e: {  	_ =	shalt  }
0x7f: {  	_ =	shalt  }
0x80: {  	_ =	shalt  }
0x81: {  	_ =	shalt  }
0x82: {  	_ =	shalt  }
0x83: {  	_ =	shalt  }
0x84: {  	_ =	shalt  }
0x85: {  	_ =	shalt  }
0x86: {  	_ =	shalt  }
0x87: {  	_ =	shalt  }
.Lfunc_end0:
.L_simem_size_0:
called_computation_lowered:
.L_overlay_start_0:
0x88: {  	s2 =	sld [smem:$0x3FD9]  }
0x89: {  	s3 =	sld [smem:$0x3FFE];
	_ =	sdelay $0x1  }
0x8a: {  	s1 =	srdreg.scid  }
0x8b: {  	s0 =	sand.u32 $0x1, s1  }
0x8c: {  	s17 =	sshll.u32 s0, $0xA;
	s2 =	sadd.s32 s3, s2  }
0x8d: {  	s2 =	sadd.s32 s2, s17  }
0x8e: {  	[smem:$0x3FBD] =	sst s2  }
0x8f: {  	_ = 	snop  }
0x90: {  	s2 =	sld [smem:$0x3FD0];
	(tm) =	ssettm $0x1  }
0x91: {  	s18 =	sld [smem:$0x3FFB];
	_ =	sdelay $0x3  }
0x92: {  	_ =	strace s18  }
0x93: {  	s3 =	sld [smem:$0x3FFC];
	_ =	sdelay $0x3  }
0x94: {  	_ =	strace s3  }
0x95: {  	s3 =	sld [smem:$0x3FFD];
	_ =	sdelay $0x3  }
0x96: {  	_ =	strace s3  }
0x97: {  	_ =	strace $0x8FFFFFFF  }
0x98: {  	s19 =	sld [smem:$0x3FDB];
	_ =	sdelay $0x1  }
0x99: {  	s4 =	simm.s32 $_scs_section_size  }
0x9a: {  	s5 =	simm.s32 $_size__tile_overlayer_lowered;
	s6 =	simm.s32 $_tile_overlayer_lowered  }
0x9b: {  	s22 =	simm.s32 $0x1BFF;
	s21 =	sshll.u32 s6, $0x1;
	s3 =	sadd.s32 s4, s19  }
0x9c: {  	s7 =	simm.s32 $0x0;
	s20 =	sshll.u32 s5, $0x1;
	s5 =	sadd.s32 s21, s3  }
0x9d: {  	[timem:s7], [sflag:s22] =	dma.local [hbm:s5], s20  }
0x9e: {  	_ =	swait.ge [sflag:s22], s20  }
0x9f: {  	s4 =	ssub.s32 $0x0, s20;
	[sflag:s22] =	ssyncset.done $0x0  }
0xa0: {  	[sflag:s22] =	ssyncadd.s32 s4;
	_ =	sdelay $0x1  }
0xa1: {  	s23 =	simm.s32 $0x1B8B  }
0xa2: {  	_ =	swait.ge [sflag:s23], $0x1  }
0xa3: {  	[sflag:s23] =	ssyncset.done $0x0  }
0xa4: {  	s25 =	simm.s32 $0x1B8E;
	s24 =	sld [smem:$0x3FFE];
	[sflag:s23] =	ssyncadd.s32 $0xFFFFFFFF  }
0xa5: {  	s26 =	simm.s32 $execute0_lowered;
	[smem:$0x3FD2] =	sst s25  }
0xa6: {  	s5 =	sshll.u32 s26, $0x1;
	_ =	strace $0x80000046;
	[dreg:$0x1] =	wrdreg $0xFFFFFFFF  }
0xa7: {  	s28 =	simm.s32 $_size_execute0_lowered;
	s3 =	sadd.s32 s3, s5;
	[dreg:$0x0] =	wrdreg $0x0  }
0xa8: {  	s5 =	sshll.u32 s28, $0x1;
	[dreg:$0x2] =	wrdreg s3  }
0xa9: {  	[dreg:$0x3] =	wrdreg s5  }
0xaa: {  	[dreg:$0x4] =	wrdreg $0xC0  }
0xab: {  	_ =	task [dreg:s7], $0x5FFFF  }
0xac: {  	[dreg:$0x1] =	wrdreg $0xFFFFFFFF  }
0xad: {  	[dreg:$0x0] =	wrdreg $0x60  }
0xae: {  	[dreg:$0x2] =	wrdreg s24  }
0xaf: {  	[dreg:$0x3] =	wrdreg s2  }
0xb0: {  	[dreg:$0x4] =	wrdreg $0x9  }
0xb1: {  	_ =	task.clear_ibuf [dreg:s7], $0x5FFFF;
	_ =	strace $0x90000046  }
0xb2: {  	s29 =	simm.s32 $0x9;
	_ =	strace $0x80000048  }
0xb3: {  	_ =	swait.ge [sflag:s29], $0x1  }
0xb4: {  	[sflag:s29] =	ssyncadd.s32 $0xFFFFFFFF  }
0xb5: {  	_ =	strace $0x90000048  }
0xb6: {  	_ =	sfence  }
0xb7: {  	s30 =	sld [smem:$0x0];
	_ =	sdelay $0x2  }
0xb8: {  	s31 =	sshll.u32 s1, $0xD;
	s1 =	sshrl.u32 s1, $0x2  }
0xb9: {  	s3 =	sand.u32 $0x4000, s31;
	s1 =	sadd.s32 s1, s30  }
0xba: {  	s0 =	sor.u32 s3, s0;
	s1 =	sshll.u32 s1, $0x11  }
0xbb: {  	s0 =	sor.u32 s1, s0  }
0xbc: {  	s0 =	sadd.s32 $0x8F2B, s0  }
0xbd: {  	[sflag:s0] =	ssyncadd.remote.s32 $0x1  }
0xbe: {  	_ =	sfence.sel $0xFFFF  }
0xbf: {  	[dreg:$0x0] =	wrdreg $0xFFFFFFFF;
	(pc) =	sbr.abs _section_cstart, $3  }
0xc0: {  	[dreg:$0x1] =	wrdreg $0xFFFFFFFF  }
0xc1: {  	_ =	task.clear_ibuf [dreg:s7], $0x2FFFF;
	_ =	strace $0x9FFFFFFF  }
0xc2: {  	(tm) =	ssettm $0x7FFFFFFF  }
0xc3: {  	_ =	shalt  }
tec
execute0_lowered:
.L_overlay_start_1:
0x0: {  	(tag) =	ssettag $0x1  }
0x1: {  	s3 =	rddreg [dreg:$0x0]  }
0x2: {  	s4 =	rddreg [dreg:$0x1]  }
0x3: {  	s0 =	rddreg [dreg:$0x2];
	s5 =	srdreg.scid  }
0x4: {  	v0 =	vlaneseq.u32;
	s2 =	simm.s32 $0x0;
	s1 =	stileid.u32;
	s5 =	sand.u32 $0x1, s5  }
0x5: {  	v2 =	vimm.f32 $3.000000010e+38;
	v3 =	vimm.s32 $0x0;
	v1 =	vmul.u32 $0xFFFFFFFF, v0;
	[smem:$0x7FF] =	sst s2;
	s6 =	sshll.u32 s1, $0x6;
	s29 =	sshll.u32 s1, $0x8  }
0x6: {  	v4 =	vor.u32 $0x10, v0;
	v5 =	vor.u32 $0x20, v0;
	v6 =	vor.u32 $0x30, v0;
	s9 =	sshll.u32 s1, $0x7;
	s7 =	ssub.s32 $0x2, s5;
	_ =	strace $0x80000047  }
0x7: {  	v7 =	vor.u32 $0x40, v0;
	v8 =	vor.u32 $0x50, v0;
	v9 =	vor.u32 $0x60, v0;
	s6 =	sand.u32 $0x380, s6;
	s30 =	sshll.u32 s5, $0x7;
	s5 =	sshll.u32 s5, $0x6  }
0x8: {  	v10 =	vor.u32 $0x70, v0;
	v11 =	vor.u32 $0x80, v0;
	v12 =	vor.u32 $0x90, v0;
	s8 =	sshrl.u32 s7, $0x1;
	s3 =	sadd.s32 s6, s3;
	s31 =	sor.u32 s5, s9  }
0x9: {  	v13 =	vor.u32 $0xA0, v0;
	v14 =	vor.u32 $0xB0, v0;
	v15 =	vor.u32 $0xC0, v0;
	s9 =	simm.s32 $0x0;
	s28 =	ssub.s32 s7, s8;
	s3 =	sadd.s32 $0x1800, s3  }
0xa: {  	v16 =	vor.u32 $0xD0, v0;
	v17 =	vor.u32 $0xE0, v0;
	v1 =	vadd.s32 $0xF, v1;
	s7 =	sor.u32 s30, s29;
	s6 =	sand.u32 $0xC0, s31;
	s8 =	simm.s32 $0x400  }
0xb: {  	v18 =	vor.u32 $0xF0, v0;
	v2 =	vperm.xlane v2, v1;
	v3 =	vperm.xlane v3, v1;
	s4 =	sadd.s32 s4, s7;
	s5 =	smax.u32 s28, $0x1;
	s7 =	simm.s32 $0x1  }
.LBB2_1:
0xc: {  	[tilespmem:s2], [sflag:$0x1] =	stream.linear.gather [hbm4b:s3+s2], $0x400, $0x38;
	[tilespmem:$0x800] =	vst v63  }
0xd: {  	_ =	swait.ge [sflag:s7], $0x400  }
0xe: {  	[sflag:s7] =	ssyncset.done $0x0  }
0xf: {  	s10 =	simm.s32 $0x400;
	s11 =	simm.s32 $0x0;
	[sflag:s7] =	ssyncadd.s32 $0xFFFFFC00  }
.LBB2_2:
0x10: {  	s12 =	sadd.s32 s11, s6;
	s13 =	sand.u32 $0xF, s11  }
0x11: {  	p0 =	sne.s32 s13, $0x0;
	p1 =	seq.s32 s12, $0x0  }
0x12: {  	p0 =	por !p1, !p0  }
0x13: {  	s14 =	simm.s32 $0x1;
	p0 =	por !p0, !p0  }
0x14: {  	s15 =	sshrl.u32 s12, $0x4;
	s14 =	simm.s32 @!p0 $0x0  }
0x15: {  	s14 =	ssub.s32 s15, s14  }
0x16: {  	s15 =	sshll.u32 s14, $0x4;
	s14 =	sshll.u32 s14, $0x6  }
0x17: {  	s15 =	sand.u32 $0x70, s15;
	s14 =	sand.u32 $0xFFFFFE00, s14  }
0x18: {  	v24 =	vld [tilespmem:$0x0];
	s14 =	sor.u32 s15, s14  }
0x19: {  	v19 =	vld [tilespmem:s14+$0x0]  }
0x1a: {  	v20 =	vld [tilespmem:s14+$0x80]  }
0x1b: {  	v25 =	vld [tilespmem:$0x80]  }
0x1c: {  	v23 =	vld [tilespmem:s14+$0x100];
	_ =	sdelay $0x1  }
0x1d: {  	v27 =	vld [tilespmem:$0x100];
	v26 =	vmov s13  }
0x1e: {  	v21 =	vperm.xlane v19, v26;
	v22 =	vperm.xlane v20, v26;
	_ =	sdelay $0x1  }
0x1f: {  	v20 =	vperm.xlane v23, v26;
	v19 =	vsub.f32 v24, v21;
	v62 =	vsub.f32 v25, v22;
	_ =	sdelay $0x1  }
0x20: {  	v63 =	vsub.f32 v27, v20;
	v19 =	vmul.f32 v19, v19;
	v23 =	vmul.f32 v62, v62;
	_ =	sdelay $0x1  }
0x21: {  	v27 =	vmul.f32 v63, v63;
	v19 =	vadd.f32 v23, v19;
	_ =	sdelay $0x1  }
0x22: {  	v23 =	vadd.f32 v27, v19;
	_ =	sdelay $0x1  }
0x23: {  	v19 =	vmov s12;
	v28 =	vadd.f32 $1.000000000e+10, v23  }
0x24: {  	vm0 =	veq.s32 v19, v0  }
0x25: {  	v23 =	vsel vm0, v28, v23  }
0x26: {  	(xrf1) =	vsort.ascd.msk.f32 $0xffff, v23, v0;
	_ =	sdelay $0x3  }
0x27: {  	v29 =	vld [tilespmem:$0x10]  }
0x28: {  	v30 =	vld [tilespmem:$0x90];
	_ =	sdelay $0x1  }
0x29: {  	v31 =	vld [tilespmem:$0x110];
	_ =	sdelay $0x2  }
0x2a: {  	v24 =	vsub.f32 v30, v22;
	v23 =	vsub.f32 v29, v21;
	_ =	sdelay $0x1  }
0x2b: {  	v25 =	vsub.f32 v31, v20;
	v24 =	vmul.f32 v24, v24;
	v23 =	vmul.f32 v23, v23;
	_ =	sdelay $0x1  }
0x2c: {  	v34 =	vmul.f32 v25, v25;
	v23 =	vadd.f32 v24, v23;
	v32, v33, _ =	vpop (xrf1)  }
0x2d: {  	vm14 =	vlt.s32 v33, v3  }
0x2e: {  	v23 =	vadd.f32 v34, v23;
	vm1 =	veq.f32 v32, v2;
	v35 =	vsel vm14, v33, v3  }
0x2f: {  	vm15 =	vlt.f32 v32, v2;
	v36 =	vsel vm1, v35, v3  }
0x30: {  	v38 =	vadd.f32 $1.000000000e+10, v23;
	v37 =	vsel vm15, v32, v2;
	v24 =	vsel vm15, v33, v36  }
0x31: {  	vm4 =	veq.s32 v19, v4;
	(xrf1) =	vsort.ascd.msk.f32 $0xffff, v37, v24  }
0x32: {  	v23 =	vsel vm4, v38, v23  }
0x33: {  	(xrf1) =	vsort.ascd.msk.f32 $0xffff, v23, v4;
	_ =	sdelay $0x3  }
0x34: {  	v39 =	vld [tilespmem:$0x20]  }
0x35: {  	v40 =	vld [tilespmem:$0xA0];
	_ =	sdelay $0x1  }
0x36: {  	v41 =	vld [tilespmem:$0x120];
	_ =	sdelay $0x2  }
0x37: {  	v24 =	vsub.f32 v40, v22;
	v23 =	vsub.f32 v39, v21;
	_ =	sdelay $0x1  }
0x38: {  	v25 =	vsub.f32 v41, v20;
	v24 =	vmul.f32 v24, v24;
	v23 =	vmul.f32 v23, v23;
	v43, v42, _ =	vpop (xrf1)  }
0x39: {  	v27 =	vperm.xlane v42, v1  }
0x3a: {  	v25 =	vmul.f32 v25, v25;
	v23 =	vadd.f32 v24, v23;
	v44, v28, _ =	vpop (xrf1);
	v26 =	vperm.xlane v43, v1  }
0x3b: {  	vm5 =	vlt.s32 v28, v27  }
0x3c: {  	v23 =	vadd.f32 v25, v23;
	vm6 =	veq.f32 v44, v26;
	v45 =	vsel vm5, v28, v27  }
0x3d: {  	vm7 =	vlt.f32 v44, v26;
	v25 =	vsel vm6, v45, v27  }
0x3e: {  	v46 =	vadd.f32 $1.000000000e+10, v23;
	v24 =	vsel vm7, v44, v26;
	v25 =	vsel vm7, v28, v25  }
0x3f: {  	vm8 =	veq.s32 v19, v5;
	(xrf1) =	vsort.ascd.msk.f32 $0xffff, v24, v25  }
0x40: {  	v23 =	vsel vm8, v46, v23  }
0x41: {  	(xrf1) =	vsort.ascd.msk.f32 $0xffff, v23, v5;
	_ =	sdelay $0x3  }
0x42: {  	v47 =	vld [tilespmem:$0x30]  }
0x43: {  	v48 =	vld [tilespmem:$0xB0];
	_ =	sdelay $0x1  }
0x44: {  	v49 =	vld [tilespmem:$0x130];
	_ =	sdelay $0x2  }
0x45: {  	v24 =	vsub.f32 v48, v22;
	v23 =	vsub.f32 v47, v21;
	_ =	sdelay $0x1  }
0x46: {  	v25 =	vsub.f32 v49, v20;
	v24 =	vmul.f32 v24, v24;
	v23 =	vmul.f32 v23, v23;
	v51, v50, _ =	vpop (xrf1)  }
0x47: {  	v27 =	vperm.xlane v50, v1  }
0x48: {  	v25 =	vmul.f32 v25, v25;
	v23 =	vadd.f32 v24, v23;
	v53, v52, _ =	vpop (xrf1);
	v26 =	vperm.xlane v51, v1  }
0x49: {  	vm9 =	vlt.s32 v52, v27  }
0x4a: {  	v23 =	vadd.f32 v25, v23;
	vm10 =	veq.f32 v53, v26;
	v54 =	vsel vm9, v52, v27  }
0x4b: {  	vm11 =	vlt.f32 v53, v26;
	v25 =	vsel vm10, v54, v27  }
0x4c: {  	v55 =	vadd.f32 $1.000000000e+10, v23;
	v24 =	vsel vm11, v53, v26;
	v25 =	vsel vm11, v52, v25  }
0x4d: {  	vm12 =	veq.s32 v19, v6;
	(xrf1) =	vsort.ascd.msk.f32 $0xffff, v24, v25  }
0x4e: {  	v23 =	vsel vm12, v55, v23  }
0x4f: {  	(xrf1) =	vsort.ascd.msk.f32 $0xffff, v23, v6;
	_ =	sdelay $0x3  }
0x50: {  	v56 =	vld [tilespmem:$0x40]  }
0x51: {  	v57 =	vld [tilespmem:$0xC0];
	_ =	sdelay $0x1  }
0x52: {  	v58 =	vld [tilespmem:$0x140];
	_ =	sdelay $0x2  }
0x53: {  	v24 =	vsub.f32 v57, v22;
	v23 =	vsub.f32 v56, v21;
	_ =	sdelay $0x1  }
0x54: {  	v25 =	vsub.f32 v58, v20;
	v24 =	vmul.f32 v24, v24;
	v23 =	vmul.f32 v23, v23;
	v60, v59, _ =	vpop (xrf1)  }
0x55: {  	v27 =	vperm.xlane v59, v1  }
0x56: {  	v25 =	vmul.f32 v25, v25;
	v23 =	vadd.f32 v24, v23;
	v62, v61, _ =	vpop (xrf1);
	v26 =	vperm.xlane v60, v1  }
0x57: {  	vm13 =	vlt.s32 v61, v27  }
0x58: {  	v23 =	vadd.f32 v25, v23;
	vm14 =	veq.f32 v62, v26;
	v63 =	vsel vm13, v61, v27  }
0x59: {  	vm15 =	vlt.f32 v62, v26;
	v25 =	vsel vm14, v63, v27  }
0x5a: {  	v28 =	vadd.f32 $1.000000000e+10, v23;
	v24 =	vsel vm15, v62, v26;
	v25 =	vsel vm15, v61, v25  }
0x5b: {  	vm4 =	veq.s32 v19, v7;
	(xrf1) =	vsort.ascd.msk.f32 $0xffff, v24, v25  }
0x5c: {  	v23 =	vsel vm4, v28, v23  }
0x5d: {  	(xrf1) =	vsort.ascd.msk.f32 $0xffff, v23, v7;
	_ =	sdelay $0x3  }
0x5e: {  	v30 =	vld [tilespmem:$0xD0]  }
0x5f: {  	v29 =	vld [tilespmem:$0x50];
	_ =	sdelay $0x1  }
0x60: {  	v31 =	vld [tilespmem:$0x150];
	_ =	sdelay $0x2  }
0x61: {  	v24 =	vsub.f32 v30, v22;
	v23 =	vsub.f32 v29, v21;
	_ =	sdelay $0x1  }
0x62: {  	v25 =	vsub.f32 v31, v20;
	v24 =	vmul.f32 v24, v24;
	v23 =	vmul.f32 v23, v23;
	v33, v32, _ =	vpop (xrf1)  }
0x63: {  	v27 =	vperm.xlane v32, v1  }
0x64: {  	v25 =	vmul.f32 v25, v25;
	v23 =	vadd.f32 v24, v23;
	v35, v34, _ =	vpop (xrf1);
	v26 =	vperm.xlane v33, v1  }
0x65: {  	vm5 =	vlt.s32 v34, v27  }
0x66: {  	v23 =	vadd.f32 v25, v23;
	vm6 =	veq.f32 v35, v26;
	v36 =	vsel vm5, v34, v27  }
0x67: {  	vm7 =	vlt.f32 v35, v26;
	v25 =	vsel vm6, v36, v27  }
0x68: {  	v37 =	vadd.f32 $1.000000000e+10, v23;
	v24 =	vsel vm7, v35, v26;
	v25 =	vsel vm7, v34, v25  }
0x69: {  	vm8 =	veq.s32 v19, v8;
	(xrf1) =	vsort.ascd.msk.f32 $0xffff, v24, v25  }
0x6a: {  	v23 =	vsel vm8, v37, v23  }
0x6b: {  	(xrf1) =	vsort.ascd.msk.f32 $0xffff, v23, v8;
	_ =	sdelay $0x3  }
0x6c: {  	v38 =	vld [tilespmem:$0x60]  }
0x6d: {  	v39 =	vld [tilespmem:$0xE0];
	_ =	sdelay $0x1  }
0x6e: {  	v40 =	vld [tilespmem:$0x160];
	_ =	sdelay $0x2  }
0x6f: {  	v24 =	vsub.f32 v39, v22;
	v23 =	vsub.f32 v38, v21;
	_ =	sdelay $0x1  }
0x70: {  	v25 =	vsub.f32 v40, v20;
	v24 =	vmul.f32 v24, v24;
	v23 =	vmul.f32 v23, v23;
	v42, v41, _ =	vpop (xrf1)  }
0x71: {  	v27 =	vperm.xlane v41, v1  }
0x72: {  	v25 =	vmul.f32 v25, v25;
	v23 =	vadd.f32 v24, v23;
	v44, v43, _ =	vpop (xrf1);
	v26 =	vperm.xlane v42, v1  }
0x73: {  	vm9 =	vlt.s32 v43, v27  }
0x74: {  	v23 =	vadd.f32 v25, v23;
	vm10 =	veq.f32 v44, v26;
	v45 =	vsel vm9, v43, v27  }
0x75: {  	vm11 =	vlt.f32 v44, v26;
	v25 =	vsel vm10, v45, v27  }
0x76: {  	v46 =	vadd.f32 $1.000000000e+10, v23;
	v24 =	vsel vm11, v44, v26;
	v25 =	vsel vm11, v43, v25  }
0x77: {  	vm12 =	veq.s32 v19, v9;
	(xrf1) =	vsort.ascd.msk.f32 $0xffff, v24, v25  }
0x78: {  	v23 =	vsel vm12, v46, v23  }
0x79: {  	(xrf1) =	vsort.ascd.msk.f32 $0xffff, v23, v9;
	_ =	sdelay $0x3  }
0x7a: {  	v48 =	vld [tilespmem:$0xF0]  }
0x7b: {  	v47 =	vld [tilespmem:$0x70];
	_ =	sdelay $0x1  }
0x7c: {  	v49 =	vld [tilespmem:$0x170];
	_ =	sdelay $0x2  }
0x7d: {  	v24 =	vsub.f32 v48, v22;
	v23 =	vsub.f32 v47, v21;
	_ =	sdelay $0x1  }
0x7e: {  	v25 =	vsub.f32 v49, v20;
	v24 =	vmul.f32 v24, v24;
	v23 =	vmul.f32 v23, v23;
	v51, v50, _ =	vpop (xrf1)  }
0x7f: {  	v27 =	vperm.xlane v50, v1  }
0x80: {  	v25 =	vmul.f32 v25, v25;
	v23 =	vadd.f32 v24, v23;
	v53, v52, _ =	vpop (xrf1);
	v26 =	vperm.xlane v51, v1  }
0x81: {  	vm13 =	vlt.s32 v52, v27  }
0x82: {  	v23 =	vadd.f32 v25, v23;
	vm14 =	veq.f32 v53, v26;
	v54 =	vsel vm13, v52, v27  }
0x83: {  	vm15 =	vlt.f32 v53, v26;
	v25 =	vsel vm14, v54, v27  }
0x84: {  	v55 =	vadd.f32 $1.000000000e+10, v23;
	v24 =	vsel vm15, v53, v26;
	v25 =	vsel vm15, v52, v25  }
0x85: {  	vm4 =	veq.s32 v19, v10;
	(xrf1) =	vsort.ascd.msk.f32 $0xffff, v24, v25  }
0x86: {  	v23 =	vsel vm4, v55, v23  }
0x87: {  	(xrf1) =	vsort.ascd.msk.f32 $0xffff, v23, v10;
	_ =	sdelay $0x3  }
0x88: {  	v57 =	vld [tilespmem:$0x280]  }
0x89: {  	v56 =	vld [tilespmem:$0x200];
	_ =	sdelay $0x1  }
0x8a: {  	v58 =	vld [tilespmem:$0x300];
	_ =	sdelay $0x2  }
0x8b: {  	v24 =	vsub.f32 v57, v22;
	v23 =	vsub.f32 v56, v21;
	_ =	sdelay $0x1  }
0x8c: {  	v25 =	vsub.f32 v58, v20;
	v24 =	vmul.f32 v24, v24;
	v23 =	vmul.f32 v23, v23;
	v60, v59, _ =	vpop (xrf1)  }
0x8d: {  	v27 =	vperm.xlane v59, v1  }
0x8e: {  	v25 =	vmul.f32 v25, v25;
	v23 =	vadd.f32 v24, v23;
	v62, v61, _ =	vpop (xrf1);
	v26 =	vperm.xlane v60, v1  }
0x8f: {  	vm5 =	vlt.s32 v61, v27  }
0x90: {  	v23 =	vadd.f32 v25, v23;
	vm6 =	veq.f32 v62, v26;
	v63 =	vsel vm5, v61, v27  }
0x91: {  	vm7 =	vlt.f32 v62, v26;
	v25 =	vsel vm6, v63, v27  }
0x92: {  	v29 =	vadd.f32 $1.000000000e+10, v23;
	v24 =	vsel vm7, v62, v26;
	v25 =	vsel vm7, v61, v25  }
0x93: {  	vm8 =	veq.s32 v19, v11;
	(xrf1) =	vsort.ascd.msk.f32 $0xffff, v24, v25  }
0x94: {  	v23 =	vsel vm8, v29, v23  }
0x95: {  	(xrf1) =	vsort.ascd.msk.f32 $0xffff, v23, v11;
	_ =	sdelay $0x3  }
0x96: {  	v30 =	vld [tilespmem:$0x210]  }
0x97: {  	v31 =	vld [tilespmem:$0x290];
	_ =	sdelay $0x1  }
0x98: {  	v32 =	vld [tilespmem:$0x310];
	_ =	sdelay $0x2  }
0x99: {  	v24 =	vsub.f32 v31, v22;
	v23 =	vsub.f32 v30, v21;
	_ =	sdelay $0x1  }
0x9a: {  	v25 =	vsub.f32 v32, v20;
	v24 =	vmul.f32 v24, v24;
	v23 =	vmul.f32 v23, v23;
	v34, v33, _ =	vpop (xrf1)  }
0x9b: {  	v27 =	vperm.xlane v33, v1  }
0x9c: {  	v25 =	vmul.f32 v25, v25;
	v23 =	vadd.f32 v24, v23;
	v36, v35, _ =	vpop (xrf1);
	v26 =	vperm.xlane v34, v1  }
0x9d: {  	vm9 =	vlt.s32 v35, v27  }
0x9e: {  	v23 =	vadd.f32 v25, v23;
	vm10 =	veq.f32 v36, v26;
	v37 =	vsel vm9, v35, v27  }
0x9f: {  	vm11 =	vlt.f32 v36, v26;
	v25 =	vsel vm10, v37, v27  }
0xa0: {  	v38 =	vadd.f32 $1.000000000e+10, v23;
	v24 =	vsel vm11, v36, v26;
	v25 =	vsel vm11, v35, v25  }
0xa1: {  	vm12 =	veq.s32 v19, v12;
	(xrf1) =	vsort.ascd.msk.f32 $0xffff, v24, v25  }
0xa2: {  	v23 =	vsel vm12, v38, v23  }
0xa3: {  	(xrf1) =	vsort.ascd.msk.f32 $0xffff, v23, v12;
	_ =	sdelay $0x3  }
0xa4: {  	v39 =	vld [tilespmem:$0x220]  }
0xa5: {  	v40 =	vld [tilespmem:$0x2A0];
	_ =	sdelay $0x1  }
0xa6: {  	v41 =	vld [tilespmem:$0x320];
	_ =	sdelay $0x2  }
0xa7: {  	v24 =	vsub.f32 v40, v22;
	v23 =	vsub.f32 v39, v21;
	_ =	sdelay $0x1  }
0xa8: {  	v25 =	vsub.f32 v41, v20;
	v24 =	vmul.f32 v24, v24;
	v23 =	vmul.f32 v23, v23;
	v43, v42, _ =	vpop (xrf1)  }
0xa9: {  	v27 =	vperm.xlane v42, v1  }
0xaa: {  	v25 =	vmul.f32 v25, v25;
	v23 =	vadd.f32 v24, v23;
	v45, v44, _ =	vpop (xrf1);
	v26 =	vperm.xlane v43, v1  }
0xab: {  	vm13 =	vlt.s32 v44, v27  }
0xac: {  	v23 =	vadd.f32 v25, v23;
	vm14 =	veq.f32 v45, v26;
	v46 =	vsel vm13, v44, v27  }
0xad: {  	vm15 =	vlt.f32 v45, v26;
	v25 =	vsel vm14, v46, v27  }
0xae: {  	v47 =	vadd.f32 $1.000000000e+10, v23;
	v24 =	vsel vm15, v45, v26;
	v25 =	vsel vm15, v44, v25  }
0xaf: {  	vm4 =	veq.s32 v19, v13;
	(xrf1) =	vsort.ascd.msk.f32 $0xffff, v24, v25  }
0xb0: {  	v23 =	vsel vm4, v47, v23  }
0xb1: {  	(xrf1) =	vsort.ascd.msk.f32 $0xffff, v23, v13;
	_ =	sdelay $0x3  }
0xb2: {  	v48 =	vld [tilespmem:$0x230]  }
0xb3: {  	v49 =	vld [tilespmem:$0x2B0];
	_ =	sdelay $0x1  }
0xb4: {  	v50 =	vld [tilespmem:$0x330];
	_ =	sdelay $0x2  }
0xb5: {  	v24 =	vsub.f32 v49, v22;
	v23 =	vsub.f32 v48, v21;
	_ =	sdelay $0x1  }
0xb6: {  	v25 =	vsub.f32 v50, v20;
	v24 =	vmul.f32 v24, v24;
	v23 =	vmul.f32 v23, v23;
	v52, v51, _ =	vpop (xrf1)  }
0xb7: {  	v27 =	vperm.xlane v51, v1  }
0xb8: {  	v25 =	vmul.f32 v25, v25;
	v23 =	vadd.f32 v24, v23;
	v54, v53, _ =	vpop (xrf1);
	v26 =	vperm.xlane v52, v1  }
0xb9: {  	vm5 =	vlt.s32 v53, v27  }
0xba: {  	v23 =	vadd.f32 v25, v23;
	vm6 =	veq.f32 v54, v26;
	v55 =	vsel vm5, v53, v27  }
0xbb: {  	vm7 =	vlt.f32 v54, v26;
	v25 =	vsel vm6, v55, v27  }
0xbc: {  	v56 =	vadd.f32 $1.000000000e+10, v23;
	v24 =	vsel vm7, v54, v26;
	v25 =	vsel vm7, v53, v25  }
0xbd: {  	vm8 =	veq.s32 v19, v14;
	(xrf1) =	vsort.ascd.msk.f32 $0xffff, v24, v25  }
0xbe: {  	v23 =	vsel vm8, v56, v23  }
0xbf: {  	(xrf1) =	vsort.ascd.msk.f32 $0xffff, v23, v14;
	_ =	sdelay $0x3  }
0xc0: {  	v57 =	vld [tilespmem:$0x240]  }
0xc1: {  	v58 =	vld [tilespmem:$0x2C0];
	_ =	sdelay $0x1  }
0xc2: {  	v59 =	vld [tilespmem:$0x340];
	_ =	sdelay $0x2  }
0xc3: {  	v24 =	vsub.f32 v58, v22;
	v23 =	vsub.f32 v57, v21;
	_ =	sdelay $0x1  }
0xc4: {  	v25 =	vsub.f32 v59, v20;
	v24 =	vmul.f32 v24, v24;
	v23 =	vmul.f32 v23, v23;
	v61, v60, _ =	vpop (xrf1)  }
0xc5: {  	v27 =	vperm.xlane v60, v1  }
0xc6: {  	v25 =	vmul.f32 v25, v25;
	v23 =	vadd.f32 v24, v23;
	v63, v62, _ =	vpop (xrf1);
	v26 =	vperm.xlane v61, v1  }
0xc7: {  	vm9 =	vlt.s32 v62, v27  }
0xc8: {  	v23 =	vadd.f32 v25, v23;
	vm10 =	veq.f32 v63, v26;
	v32 =	vsel vm9, v62, v27  }
0xc9: {  	vm11 =	vlt.f32 v63, v26;
	v25 =	vsel vm10, v32, v27  }
0xca: {  	v33 =	vadd.f32 $1.000000000e+10, v23;
	v24 =	vsel vm11, v63, v26;
	v25 =	vsel vm11, v62, v25  }
0xcb: {  	vm12 =	veq.s32 v19, v15;
	(xrf1) =	vsort.ascd.msk.f32 $0xffff, v24, v25  }
0xcc: {  	v23 =	vsel vm12, v33, v23  }
0xcd: {  	(xrf1) =	vsort.ascd.msk.f32 $0xffff, v23, v15;
	_ =	sdelay $0x3  }
0xce: {  	v34 =	vld [tilespmem:$0x250]  }
0xcf: {  	v35 =	vld [tilespmem:$0x2D0];
	_ =	sdelay $0x1  }
0xd0: {  	v36 =	vld [tilespmem:$0x350];
	_ =	sdelay $0x2  }
0xd1: {  	v24 =	vsub.f32 v35, v22;
	v23 =	vsub.f32 v34, v21;
	_ =	sdelay $0x1  }
0xd2: {  	v25 =	vsub.f32 v36, v20;
	v24 =	vmul.f32 v24, v24;
	v23 =	vmul.f32 v23, v23;
	v38, v37, _ =	vpop (xrf1)  }
0xd3: {  	v27 =	vperm.xlane v37, v1  }
0xd4: {  	v25 =	vmul.f32 v25, v25;
	v23 =	vadd.f32 v24, v23;
	v40, v39, _ =	vpop (xrf1);
	v26 =	vperm.xlane v38, v1  }
0xd5: {  	vm13 =	vlt.s32 v39, v27  }
0xd6: {  	v23 =	vadd.f32 v25, v23;
	vm14 =	veq.f32 v40, v26;
	v41 =	vsel vm13, v39, v27  }
0xd7: {  	vm15 =	vlt.f32 v40, v26;
	v25 =	vsel vm14, v41, v27  }
0xd8: {  	v42 =	vadd.f32 $1.000000000e+10, v23;
	v24 =	vsel vm15, v40, v26;
	v25 =	vsel vm15, v39, v25  }
0xd9: {  	vm4 =	veq.s32 v19, v16;
	(xrf1) =	vsort.ascd.msk.f32 $0xffff, v24, v25  }
0xda: {  	v23 =	vsel vm4, v42, v23  }
0xdb: {  	(xrf1) =	vsort.ascd.msk.f32 $0xffff, v23, v16;
	_ =	sdelay $0x3  }
0xdc: {  	v43 =	vld [tilespmem:$0x260]  }
0xdd: {  	v44 =	vld [tilespmem:$0x2E0];
	_ =	sdelay $0x1  }
0xde: {  	v45 =	vld [tilespmem:$0x360];
	_ =	sdelay $0x2  }
0xdf: {  	v24 =	vsub.f32 v44, v22;
	v23 =	vsub.f32 v43, v21;
	_ =	sdelay $0x1  }
0xe0: {  	v25 =	vsub.f32 v45, v20;
	v24 =	vmul.f32 v24, v24;
	v23 =	vmul.f32 v23, v23;
	v47, v46, _ =	vpop (xrf1)  }
0xe1: {  	v27 =	vperm.xlane v46, v1  }
0xe2: {  	v25 =	vmul.f32 v25, v25;
	v23 =	vadd.f32 v24, v23;
	v49, v48, _ =	vpop (xrf1);
	v26 =	vperm.xlane v47, v1  }
0xe3: {  	vm5 =	vlt.s32 v48, v27  }
0xe4: {  	v23 =	vadd.f32 v25, v23;
	vm6 =	veq.f32 v49, v26;
	v50 =	vsel vm5, v48, v27  }
0xe5: {  	vm7 =	vlt.f32 v49, v26;
	v25 =	vsel vm6, v50, v27  }
0xe6: {  	v51 =	vadd.f32 $1.000000000e+10, v23;
	v24 =	vsel vm7, v49, v26;
	v25 =	vsel vm7, v48, v25  }
0xe7: {  	vm8 =	veq.s32 v19, v17;
	(xrf1) =	vsort.ascd.msk.f32 $0xffff, v24, v25  }
0xe8: {  	v23 =	vsel vm8, v51, v23  }
0xe9: {  	(xrf1) =	vsort.ascd.msk.f32 $0xffff, v23, v17;
	_ =	sdelay $0x3  }
0xea: {  	v52 =	vld [tilespmem:$0x270]  }
0xeb: {  	v53 =	vld [tilespmem:$0x2F0];
	_ =	sdelay $0x1  }
0xec: {  	v54 =	vld [tilespmem:$0x370];
	_ =	sdelay $0x2  }
0xed: {  	v22 =	vsub.f32 v53, v22;
	v21 =	vsub.f32 v52, v21;
	_ =	sdelay $0x1  }
0xee: {  	v20 =	vsub.f32 v54, v20;
	v22 =	vmul.f32 v22, v22;
	v21 =	vmul.f32 v21, v21;
	v55, v56, _ =	vpop (xrf1)  }
0xef: {  	v24 =	vperm.xlane v56, v1  }
0xf0: {  	v20 =	vmul.f32 v20, v20;
	v21 =	vadd.f32 v22, v21;
	v58, v57, _ =	vpop (xrf1);
	v23 =	vperm.xlane v55, v1  }
0xf1: {  	vm9 =	vlt.s32 v57, v24  }
0xf2: {  	v20 =	vadd.f32 v20, v21;
	vm10 =	veq.f32 v58, v23;
	v59 =	vsel vm9, v57, v24  }
0xf3: {  	vm11 =	vlt.f32 v58, v23;
	v60 =	vsel vm10, v59, v24  }
0xf4: {  	v62 =	vadd.f32 $1.000000000e+10, v20;
	v61 =	vsel vm11, v58, v23;
	v21 =	vsel vm11, v57, v60  }
0xf5: {  	vm12 =	veq.s32 v19, v18;
	(xrf1) =	vsort.ascd.msk.f32 $0xffff, v61, v21  }
0xf6: {  	v19 =	vsel vm12, v62, v20  }
0xf7: {  	(xrf1) =	vsort.ascd.msk.f32 $0xffff, v19, v18;
	_ =	sdelay $0xb  }
0xf8: {  	v19, v20, _ =	vpop (xrf1)  }
0xf9: {  	v20 =	vperm.xlane v20, v1  }
0xfa: {  	v21, v22, _ =	vpop (xrf1);
	v19 =	vperm.xlane v19, v1  }
0xfb: {  	vm13 =	vlt.s32 v22, v20  }
0xfc: {  	vm14 =	veq.f32 v21, v19;
	v63 =	vsel vm13, v22, v20  }
0xfd: {  	vm15 =	vlt.f32 v21, v19;
	v20 =	vsel vm14, v63, v20  }
0xfe: {  	v19 =	vsel vm15, v21, v19;
	v20 =	vsel vm15, v22, v20  }
0xff: {  	(xrf1) =	vsort.ascd.msk.f32 $0xffff, v19, v20;
	_ =	sdelay $0x9  }
0x100: {  	p0 =	sne.s32 s11, $0x3F  }
.Ltmp0:
0x101: {  	_ = 	snop;
	(pc) =	sbr.rel @p0 .LBB2_2-.Ltmp0, $3  }
0x102: {  	_ =	sdelay $0x1  }
0x103: {  	_, v19, _ =	vpop (xrf1)  }
0x104: {  	s11 =	sadd.s32 $0x1, s11;
	[tilespmem:s10+$0x0] =	vst v19;
	s10 =	sadd.s32 $0x10, s10  }
0x105: {  	s9 =	sadd.s32 $0x1, s9  }
0x106: {  	p0 =	sne.s32 s9, s5  }
.Ltmp1:
0x107: {  	_ = 	snop;
	(pc) =	sbr.rel @p0 .LBB2_1-.Ltmp1, $4  }
0x108: {  	[hbm4b:s4+s2] =	stream.linear.scatter [tilespmem:s8], [sflag:$0x1], $0x400, $0x38;
	[tilespmem:$0x800] =	vst v63  }
0x109: {  	_ =	swait.ge [sflag:s7], $0x400  }
0x10a: {  	[sflag:s7] =	ssyncset.done $0x0  }
0x10b: {  	[sflag:s7] =	ssyncadd.s32 $0xFFFFFC00  }
0x10c: {  	_ =	sfence.sel $0x180000  }
0x10d: {  	[bflag:$0x0] =	sbarrier.arrive $0xFFFF  }
0x10e: {  	p0 =	sne.s32 s1, $0x0;
	_ =	strace $0x90000047  }
0x10f: {  	s0 =	sadd.s32 @!p0 $0x100000, s0;
	[bflag:$0x2] =	sbarrier.arrive $0xFFFF  }
0x110: {  	[sflag:s0] =	ssyncadd.tile.s32 @!p0 $0x1;
	_ =	shalt  }
.Lfunc_end2:
_tile_overlayer_lowered:
.L_overlay_start_2:
0x111: {  	(tag) =	ssettag $0x2  }
0x112: {  	s0 =	rddreg [dreg:$0x0];
	s2 =	stileid.u32  }
0x113: {  	s1 =	rddreg [dreg:$0x1];
	p0 =	sne.s32 s2, $0x0  }
0x114: {  	s3 =	rddreg [dreg:$0x2];
	[bflag:$0x3] =	sbarrier.arrive $0xFFFF;
	s2 =	simm.s32 @!p0 $0x1C01  }
0x115: {  	[timem:s3], [sflag:s2] =	dma.local @!p0 [hbm:s0], s1  }
0x116: {  	s0 =	simm.s32 @!p0 $0x1  }
0x117: {  	_ =	swait.ge @!p0 [sflag:s0], s1  }
0x118: {  	s1 =	ssub.s32 @!p0 $0x0, s1;
	[sflag:s0] =	ssyncset.done @!p0 $0x0  }
0x119: {  	[sflag:s0] =	ssyncadd.s32 @!p0 s1  }
0x11a: {  	[bflag:$0x3] =	sbarrier.arrive $0xFFFF  }
0x11b: {  	_ =	shalt  }

</sc_bundles>
